<compile_context>
chip_gen: v7x
topology: tpu7x:2x2x1
jax: 0.10.2.dev20260603
libtpu: 0.0.44.dev20260713+nightly
codegen_flags: <defaults>
</compile_context>

<pallas_src>
import functools

import jax
import jax.numpy as jnp
from jax import lax
from jax.experimental import pallas as pl
from jax.experimental.pallas import tpu as pltpu
from jax.experimental.pallas import tpu_sc as plsc

N = 10000
E = 320000
IN_CH = 128
MEM = 128
OUT = 128

NC = 2
NS = 16
NW = NC * NS
EPW = E // NW
NPT = N // NS
ZB = 125
K2 = 128
CH2 = 79
CHP2 = 80
EPT = CH2 * K2
ACC_N = N + NS
WH = 8

_mesh = plsc.VectorSubcoreMesh(core_axis_name="c", subcore_axis_name="s")

HIGHEST = jax.lax.Precision.HIGHEST


@functools.partial(
    pl.kernel,
    out_type=jax.ShapeDtypeStruct((NW, NPT, OUT), jnp.float32),
    mesh=_mesh,
    scratch_types=[
        pltpu.VMEM((CHP2, K2), jnp.int32),
        pltpu.VMEM((K2, OUT), jnp.float32),
        pltpu.VMEM((ZB, OUT), jnp.float32),
        pltpu.VMEM_SHARED((ACC_N, OUT), jnp.float32),
        pltpu.SemaphoreType.DMA,
    ],
)
def _sc_histogram(col_hbm, out_hbm, cidx_v, ones_v, zero_v, acc_sh, sem):
    cid = lax.axis_index("c")
    sid = lax.axis_index("s")
    wid = cid * NS + sid

    def fill_ones(i, _):
        for k in range(OUT // 16):
            ones_v[i, pl.ds(k * 16, 16)] = jnp.ones((16,), jnp.float32)
        return 0

    lax.fori_loop(0, K2, fill_ones, 0)

    def fill_zero(i, _):
        for k in range(OUT // 16):
            zero_v[i, pl.ds(k * 16, 16)] = jnp.zeros((16,), jnp.float32)
        return 0

    lax.fori_loop(0, ZB, fill_zero, 0)
    for c in range(NPT // ZB):
        pltpu.sync_copy(zero_v, acc_sh.at[pl.ds(sid * NPT + c * ZB, ZB)])
    pltpu.sync_copy(col_hbm.at[pl.ds(wid * CHP2, CHP2)], cidx_v)
    plsc.subcore_barrier()

    for w in range(WH):
        pltpu.async_copy(ones_v, acc_sh.at[cidx_v.at[w]], sem, add=True)

    def chunk(j, _):
        pltpu.make_async_copy(ones_v, acc_sh.at[cidx_v.at[j - WH]], sem).wait()
        pltpu.async_copy(ones_v, acc_sh.at[cidx_v.at[j]], sem, add=True)
        return 0

    lax.fori_loop(WH, CH2, chunk, 0)
    for w in range(WH):
        pltpu.make_async_copy(
            ones_v, acc_sh.at[cidx_v.at[CH2 - WH + w]], sem).wait()
    plsc.subcore_barrier()

    pltpu.sync_copy(acc_sh.at[pl.ds(sid * NPT, NPT)], out_hbm.at[wid])


@functools.partial(
    pl.kernel,
    out_type=jax.ShapeDtypeStruct((NW, NPT, OUT), jnp.float32),
    mesh=_mesh,
    scratch_types=[
        pltpu.VMEM((CHP2, K2), jnp.int32),
        pltpu.VMEM((K2,), jnp.int32),
        pltpu.VMEM((K2,), jnp.int32),
        pltpu.VMEM((K2, OUT), jnp.float32),
        pltpu.VMEM((K2, OUT), jnp.float32),
        pltpu.VMEM_SHARED((ACC_N, OUT), jnp.float32),
        pltpu.SemaphoreType.DMA,
        pltpu.SemaphoreType.DMA,
        pltpu.SemaphoreType.DMA,
        pltpu.SemaphoreType.DMA,
        pltpu.SemaphoreType.DMA,
        pltpu.SemaphoreType.DMA,
    ],
)
def _sc_edge_sum(ys_hbm, row_hbm, col_hbm, out_hbm,
                 cidx_v, ra, rb, buf_a, buf_b, acc_sh,
                 gsa, gsb, ssa, ssb, ila, ilb):
    cid = lax.axis_index("c")
    sid = lax.axis_index("s")
    wid = cid * NS + sid

    def fill_zero(i, _):
        for k in range(OUT // 16):
            buf_a[i, pl.ds(k * 16, 16)] = jnp.zeros((16,), jnp.float32)
        return 0

    lax.fori_loop(0, K2, fill_zero, 0)
    for c in range(NPT // K2):
        pltpu.sync_copy(buf_a, acc_sh.at[pl.ds(sid * NPT + c * K2, K2)])
    rem = NPT - (NPT // K2) * K2
    pltpu.sync_copy(buf_a.at[pl.ds(0, rem)],
                    acc_sh.at[pl.ds(sid * NPT + (NPT // K2) * K2, rem)])
    pltpu.sync_copy(col_hbm.at[pl.ds(wid * CHP2, CHP2)], cidx_v)
    plsc.subcore_barrier()

    def _rslice(j):
        start = pl.multiple_of(wid * EPT + j * K2, 8)
        return row_hbm.at[pl.ds(start, K2)]

    def ridx_load(j, r, sem):
        return pltpu.async_copy(_rslice(j), r, sem)

    def ridx_wait(j, r, sem):
        pltpu.make_async_copy(_rslice(j), r, sem).wait()

    def gather(r, buf, sem):
        return pltpu.async_copy(ys_hbm.at[r], buf, sem)

    def gather_wait(r, buf, sem):
        pltpu.make_async_copy(ys_hbm.at[r], buf, sem).wait()

    def scatter(j, buf, sem):
        return pltpu.async_copy(buf, acc_sh.at[cidx_v.at[j]], sem, add=True)

    def scatter_wait(j, buf, sem):
        pltpu.make_async_copy(buf, acc_sh.at[cidx_v.at[j]], sem).wait()

    pltpu.sync_copy(_rslice(0), ra)
    gather(ra, buf_a, gsa)
    ridx_load(1, rb, ilb)
    gather_wait(ra, buf_a, gsa)
    ridx_wait(1, rb, ilb)
    gather(rb, buf_b, gsb)
    ridx_load(2, ra, ila)
    scatter(0, buf_a, ssa)

    def pair(t, _):
        j = 2 * t + 1
        gather_wait(rb, buf_b, gsb)
        scatter_wait(j - 1, buf_a, ssa)
        ridx_wait(j + 1, ra, ila)
        gather(ra, buf_a, gsa)
        ridx_load(j + 2, rb, ilb)
        scatter(j, buf_b, ssb)
        gather_wait(ra, buf_a, gsa)
        scatter_wait(j, buf_b, ssb)
        ridx_wait(j + 2, rb, ilb)
        gather(rb, buf_b, gsb)
        ridx_load(j + 3, ra, ila)
        scatter(j + 1, buf_a, ssa)
        return 0

    lax.fori_loop(0, (CH2 - 3) // 2, pair, 0)
    gather_wait(rb, buf_b, gsb)
    scatter_wait(CH2 - 3, buf_a, ssa)
    ridx_wait(CH2 - 1, ra, ila)
    gather(ra, buf_a, gsa)
    scatter(CH2 - 2, buf_b, ssb)
    gather_wait(ra, buf_a, gsa)
    scatter_wait(CH2 - 2, buf_b, ssb)
    scatter(CH2 - 1, buf_a, ssa)
    scatter_wait(CH2 - 1, buf_a, ssa)

    plsc.subcore_barrier()
    pltpu.sync_copy(acc_sh.at[pl.ds(sid * NPT, NPT)], out_hbm.at[wid])


BLK = 1000


def _mm1_body(x_ref, mem_ref, wt1_ref, wt2_ref, xw_ref):
    xw = jnp.dot(x_ref[...], wt1_ref[...],
                 preferred_element_type=jnp.float32, precision=HIGHEST)
    xw = xw + jnp.dot(mem_ref[...], wt2_ref[...],
                      preferred_element_type=jnp.float32, precision=HIGHEST)
    xw_ref[...] = xw


def _tc_mm1(x, memory, wt1, wt2):
    grid = (N // BLK,)
    return pl.pallas_call(
        _mm1_body,
        grid=grid,
        in_specs=[
            pl.BlockSpec((BLK, IN_CH), lambda i: (i, 0)),
            pl.BlockSpec((BLK, MEM), lambda i: (i, 0)),
            pl.BlockSpec((IN_CH, OUT), lambda i: (0, 0)),
            pl.BlockSpec((MEM, OUT), lambda i: (0, 0)),
        ],
        out_specs=pl.BlockSpec((BLK, OUT), lambda i: (i, 0)),
        out_shape=jax.ShapeDtypeStruct((N, OUT), jnp.float32),
    )(x, memory, wt1, wt2)


def _scale_body(d0_ref, d1_ref, xw_ref, ys_ref, dis_ref):
    deg = d0_ref[:, 0:1] + d1_ref[:, 0:1] + 1.0
    dis = jax.lax.rsqrt(deg)
    ys_ref[...] = dis * xw_ref[...]
    dis_ref[...] = dis


def _tc_scale(deg0, deg1, xw):
    grid = (N // BLK,)
    return pl.pallas_call(
        _scale_body,
        grid=grid,
        in_specs=[
            pl.BlockSpec((BLK, OUT), lambda i: (i, 0)),
            pl.BlockSpec((BLK, OUT), lambda i: (i, 0)),
            pl.BlockSpec((BLK, OUT), lambda i: (i, 0)),
        ],
        out_specs=[
            pl.BlockSpec((BLK, OUT), lambda i: (i, 0)),
            pl.BlockSpec((BLK, 1), lambda i: (i, 0)),
        ],
        out_shape=[
            jax.ShapeDtypeStruct((N, OUT), jnp.float32),
            jax.ShapeDtypeStruct((N, 1), jnp.float32),
        ],
    )(deg0, deg1, xw)


def _final_body(a0_ref, a1_ref, ys_ref, dis_ref, mem_ref,
                wiht_ref, whht_ref, bih_ref, bhh_ref, gb_ref,
                nm_ref, msg_ref):
    msg = dis_ref[...] * (a0_ref[...] + a1_ref[...] + ys_ref[...]) + gb_ref[...]
    msg_ref[...] = msg
    gi = jnp.dot(msg, wiht_ref[...],
                 preferred_element_type=jnp.float32,
                 precision=HIGHEST) + bih_ref[...]
    gh = jnp.dot(mem_ref[...], whht_ref[...],
                 preferred_element_type=jnp.float32,
                 precision=HIGHEST) + bhh_ref[...]
    r = jax.nn.sigmoid(gi[:, 0:MEM] + gh[:, 0:MEM])
    z = jax.nn.sigmoid(gi[:, MEM:2 * MEM] + gh[:, MEM:2 * MEM])
    ng = jnp.tanh(gi[:, 2 * MEM:] + r * gh[:, 2 * MEM:])
    nm_ref[...] = (1.0 - z) * ng + z * mem_ref[...]


def _tc_final(acc0, acc1, ys, dis, memory, wiht, whht, bih, bhh, gbias):
    grid = (N // BLK,)
    return pl.pallas_call(
        _final_body,
        grid=grid,
        in_specs=[
            pl.BlockSpec((BLK, OUT), lambda i: (i, 0)),
            pl.BlockSpec((BLK, OUT), lambda i: (i, 0)),
            pl.BlockSpec((BLK, OUT), lambda i: (i, 0)),
            pl.BlockSpec((BLK, 1), lambda i: (i, 0)),
            pl.BlockSpec((BLK, MEM), lambda i: (i, 0)),
            pl.BlockSpec((OUT, 3 * MEM), lambda i: (0, 0)),
            pl.BlockSpec((MEM, 3 * MEM), lambda i: (0, 0)),
            pl.BlockSpec((1, 3 * MEM), lambda i: (0, 0)),
            pl.BlockSpec((1, 3 * MEM), lambda i: (0, 0)),
            pl.BlockSpec((1, OUT), lambda i: (0, 0)),
        ],
        out_specs=[
            pl.BlockSpec((BLK, MEM), lambda i: (i, 0)),
            pl.BlockSpec((BLK, OUT), lambda i: (i, 0)),
        ],
        out_shape=[
            jax.ShapeDtypeStruct((N, MEM), jnp.float32),
            jax.ShapeDtypeStruct((N, OUT), jnp.float32),
        ],
    )(acc0, acc1, ys, dis, memory, wiht, whht, bih, bhh, gbias)


def kernel(x, edge_index, memory, gcn_weight, gcn_bias, w_ih, w_hh, b_ih, b_hh):
    row = edge_index[0].astype(jnp.int32)
    col = edge_index[1].astype(jnp.int32)

    pad = EPT - EPW
    wids = jnp.arange(NW, dtype=jnp.int32)[:, None]
    prange = jnp.arange(pad, dtype=jnp.int32)[None, :]
    row_pad = (wids * 97 + prange * 131) % N
    col_pad = N + (wids % NS) + jnp.zeros_like(prange)
    row_p = jnp.concatenate(
        [row.reshape(NW, EPW), row_pad], axis=1).reshape(NW * EPT)
    col_p = jnp.concatenate(
        [col.reshape(NW, EPW), col_pad], axis=1).reshape(NW, CH2, K2)
    col_p = jnp.pad(col_p, ((0, 0), (0, CHP2 - CH2), (0, 0)))
    col_p = col_p.reshape(NW * CHP2, K2)

    hist = _sc_histogram(col_p)
    deg0 = hist[:NS].reshape(N, OUT)
    deg1 = hist[NS:].reshape(N, OUT)

    wt1 = gcn_weight[:, :IN_CH].T
    wt2 = gcn_weight[:, IN_CH:].T
    whht = w_hh.T
    wiht = w_ih.T
    xw = _tc_mm1(x, memory, wt1, wt2)

    ys, dis = _tc_scale(deg0, deg1, xw)

    acc = _sc_edge_sum(ys, row_p, col_p)
    acc0 = acc[:NS].reshape(N, OUT)
    acc1 = acc[NS:].reshape(N, OUT)

    new_memory, message = _tc_final(
        acc0, acc1, ys, dis, memory, wiht, whht,
        b_ih.reshape(1, -1), b_hh.reshape(1, -1), gcn_bias.reshape(1, -1))
    return (new_memory, message)

# --- scband reference (transcript-rebuilt; emitter-appended) ---
"""Pipeline reference for scband-tgncell-79465484910637 (READ-ONLY COPY).

The authoritative reference and input builder live on the scoring server;
editing this copy changes nothing except your own understanding.
"""

import jax, jax.numpy as jnp
import numpy as np

N = 10000
E = 320000
IN_CH = 128
MEM = 128
OUT = 128


def setup_inputs(seed: int = 0) -> dict:
    key = jax.random.key(seed)
    ks = jax.random.split(key, 9)
    x = jax.random.normal(ks[0], (N, IN_CH), dtype=jnp.float32)
    edge_index = jax.random.randint(ks[1], (2, E), 0, N)
    memory = jax.random.normal(ks[2], (N, MEM), dtype=jnp.float32)
    # GCNConv linear: weight [out, in_ch+mem], bias [out]
    gcn_weight = jax.random.normal(ks[3], (OUT, IN_CH + MEM), dtype=jnp.float32) * (1.0 / np.sqrt(IN_CH + MEM))
    gcn_bias = jnp.zeros((OUT,), dtype=jnp.float32)
    # GRUCell params: w_ih [3*mem, out], w_hh [3*mem, mem]
    w_ih = jax.random.normal(ks[4], (3 * MEM, OUT), dtype=jnp.float32) * (1.0 / np.sqrt(OUT))
    w_hh = jax.random.normal(ks[5], (3 * MEM, MEM), dtype=jnp.float32) * (1.0 / np.sqrt(MEM))
    b_ih = jax.random.normal(ks[6], (3 * MEM,), dtype=jnp.float32) * 0.05
    b_hh = jax.random.normal(ks[7], (3 * MEM,), dtype=jnp.float32) * 0.05
    return {"x": x, "edge_index": edge_index, "memory": memory,
            "gcn_weight": gcn_weight, "gcn_bias": gcn_bias,
            "w_ih": w_ih, "w_hh": w_hh, "b_ih": b_ih, "b_hh": b_hh}


def gcn_conv(x, edge_index, weight, bias):
    n = x.shape[0]
    x = x @ weight.T
    loop = jnp.arange(n)
    row = jnp.concatenate([edge_index[0], loop])
    col = jnp.concatenate([edge_index[1], loop])
    deg = jax.ops.segment_sum(jnp.ones_like(col, dtype=x.dtype), col, num_segments=n)
    dis = jnp.where(deg > 0, jax.lax.rsqrt(jnp.maximum(deg, 1e-12)), 0.0)
    norm = dis[row] * dis[col]
    out = jax.ops.segment_sum(norm[:, None] * x[row], col, num_segments=n)
    return out + bias


def gru_cell(inp, h, w_ih, w_hh, b_ih, b_hh):
    gi = inp @ w_ih.T + b_ih
    gh = h @ w_hh.T + b_hh
    i_r, i_z, i_n = jnp.split(gi, 3, axis=1)
    h_r, h_z, h_n = jnp.split(gh, 3, axis=1)
    r = jax.nn.sigmoid(i_r + h_r)
    z = jax.nn.sigmoid(i_z + h_z)
    ng = jnp.tanh(i_n + r * h_n)
    return (1.0 - z) * ng + z * h


def reference(x, edge_index, memory, gcn_weight, gcn_bias, w_ih, w_hh, b_ih, b_hh):
    combined = jnp.concatenate([x, memory], axis=1)
    message = gcn_conv(combined, edge_index, gcn_weight, gcn_bias)
    new_memory = gru_cell(message, memory, w_ih, w_hh, b_ih, b_hh)
    return (new_memory, message)

if __name__ == "__main__":
    import jax
    _d = setup_inputs()
    print(jax.jit(kernel)(*tuple(_d.values())))

</pallas_src>

<mosaic_0001>
#map = affine_map<(d0, d1) -> (0, 0)>
#map1 = affine_map<(d0, d1) -> (0)>
#map2 = affine_map<(d0, d1) -> (0, 0, 0)>
module attributes {stable_mosaic.version = 14 : i64} {
  func.func @_sc_edge_sum(%arg0: i32, %arg1: i32, %arg2: memref<10000x128xf32, #tpu.memory_space<hbm>>, %arg3: memref<323584xi32, #tpu.memory_space<hbm>>, %arg4: memref<2560x128xi32, #tpu.memory_space<hbm>>, %arg5: memref<32x625x128xf32, #tpu.memory_space<hbm>>, %arg6: memref<80x128xi32, #tpu.memory_space<vmem>>, %arg7: memref<128xi32, #tpu.memory_space<vmem>>, %arg8: memref<128xi32, #tpu.memory_space<vmem>>, %arg9: memref<128x128xf32, #tpu.memory_space<vmem>>, %arg10: memref<128x128xf32, #tpu.memory_space<vmem>>, %arg11: memref<10016x128xf32, #tpu.memory_space<vmem_shared>>, %arg12: memref<!tpu.dma_semaphore, #tpu.memory_space<semaphore_mem>>, %arg13: memref<!tpu.dma_semaphore, #tpu.memory_space<semaphore_mem>>, %arg14: memref<!tpu.dma_semaphore, #tpu.memory_space<semaphore_mem>>, %arg15: memref<!tpu.dma_semaphore, #tpu.memory_space<semaphore_mem>>, %arg16: memref<!tpu.dma_semaphore, #tpu.memory_space<semaphore_mem>>, %arg17: memref<!tpu.dma_semaphore, #tpu.memory_space<semaphore_mem>>) attributes {dimension_semantics = [#tpu.dimension_semantics<core_parallel>, #tpu.dimension_semantics<subcore_parallel>], iteration_bounds = array<i64: 2, 16>, scalar_prefetch = 0 : i64, scratch_operands = 12 : i64, tpu.core_type = #tpu.core_type<sc_vector_subcore>, window_params = [{transform_indices = #map}, {transform_indices = #map1}, {transform_indices = #map}, {transform_indices = #map2}]} {
    %mul3A = arith.constant 16 : i32
    %mul3A_0 = arith.muli %arg0, %mul3A : i32
    %add3A = arith.addi %mul3A_0, %arg1 : i32
    %scan3A = arith.constant 0 : i32
    %scan3A_1 = arith.constant 0 : i32
    %scan3A_2 = arith.constant 128 : i32
    %scan3A_3 = arith.addi %scan3A_1, %scan3A_2 : i32
    %scan3A_4 = arith.constant 1 : i32
    %scan3A_5 = scf.for %scan3A_129 = %scan3A_1 to %scan3A_3 step %scan3A_4 iter_args(%scan3A_130 = %scan3A) -> (i32)  : i32 {
      %broadcast_in_dim3A = arith.constant 0.000000e+00 : f32
      %broadcast_in_dim3A_131 = vector.broadcast %broadcast_in_dim3A : f32 to vector<16xf32>
      %swap3A = arith.index_cast %scan3A_129 : i32 to index
      %swap3A_132 = arith.constant 0 : index
      %swap3A_133 = tpu.vector_load %arg9[%swap3A, %swap3A_132] {strides = array<i32>} : memref<128x128xf32, #tpu.memory_space<vmem>>, vector<1x16xf32>,
      %swap3A_134 = vector.shape_cast %swap3A_133 : vector<1x16xf32> to vector<16xf32>
      %swap3A_135 = vector.shape_cast %broadcast_in_dim3A_131 : vector<16xf32> to vector<1x16xf32>
      tpu.vector_store %arg9[%swap3A, %swap3A_132], %swap3A_135 {strides = array<i32>} : memref<128x128xf32, #tpu.memory_space<vmem>>, vector<1x16xf32>,
      %broadcast_in_dim3A_136 = arith.constant 0.000000e+00 : f32
      %broadcast_in_dim3A_137 = vector.broadcast %broadcast_in_dim3A_136 : f32 to vector<16xf32>
      %swap3A_138 = arith.index_cast %scan3A_129 : i32 to index
      %swap3A_139 = arith.constant 16 : index
      %swap3A_140 = tpu.vector_load %arg9[%swap3A_138, %swap3A_139] {strides = array<i32>} : memref<128x128xf32, #tpu.memory_space<vmem>>, vector<1x16xf32>,
      %swap3A_141 = vector.shape_cast %swap3A_140 : vector<1x16xf32> to vector<16xf32>
      %swap3A_142 = vector.shape_cast %broadcast_in_dim3A_137 : vector<16xf32> to vector<1x16xf32>
      tpu.vector_store %arg9[%swap3A_138, %swap3A_139], %swap3A_142 {strides = array<i32>} : memref<128x128xf32, #tpu.memory_space<vmem>>, vector<1x16xf32>,
      %broadcast_in_dim3A_143 = arith.constant 0.000000e+00 : f32
      %broadcast_in_dim3A_144 = vector.broadcast %broadcast_in_dim3A_143 : f32 to vector<16xf32>
      %swap3A_145 = arith.index_cast %scan3A_129 : i32 to index
      %swap3A_146 = arith.constant 32 : index
      %swap3A_147 = tpu.vector_load %arg9[%swap3A_145, %swap3A_146] {strides = array<i32>} : memref<128x128xf32, #tpu.memory_space<vmem>>, vector<1x16xf32>,
      %swap3A_148 = vector.shape_cast %swap3A_147 : vector<1x16xf32> to vector<16xf32>
      %swap3A_149 = vector.shape_cast %broadcast_in_dim3A_144 : vector<16xf32> to vector<1x16xf32>
      tpu.vector_store %arg9[%swap3A_145, %swap3A_146], %swap3A_149 {strides = array<i32>} : memref<128x128xf32, #tpu.memory_space<vmem>>, vector<1x16xf32>,
      %broadcast_in_dim3A_150 = arith.constant 0.000000e+00 : f32
      %broadcast_in_dim3A_151 = vector.broadcast %broadcast_in_dim3A_150 : f32 to vector<16xf32>
      %swap3A_152 = arith.index_cast %scan3A_129 : i32 to index
      %swap3A_153 = arith.constant 48 : index
      %swap3A_154 = tpu.vector_load %arg9[%swap3A_152, %swap3A_153] {strides = array<i32>} : memref<128x128xf32, #tpu.memory_space<vmem>>, vector<1x16xf32>,
      %swap3A_155 = vector.shape_cast %swap3A_154 : vector<1x16xf32> to vector<16xf32>
      %swap3A_156 = vector.shape_cast %broadcast_in_dim3A_151 : vector<16xf32> to vector<1x16xf32>
      tpu.vector_store %arg9[%swap3A_152, %swap3A_153], %swap3A_156 {strides = array<i32>} : memref<128x128xf32, #tpu.memory_space<vmem>>, vector<1x16xf32>,
      %broadcast_in_dim3A_157 = arith.constant 0.000000e+00 : f32
      %broadcast_in_dim3A_158 = vector.broadcast %broadcast_in_dim3A_157 : f32 to vector<16xf32>
      %swap3A_159 = arith.index_cast %scan3A_129 : i32 to index
      %swap3A_160 = arith.constant 64 : index
      %swap3A_161 = tpu.vector_load %arg9[%swap3A_159, %swap3A_160] {strides = array<i32>} : memref<128x128xf32, #tpu.memory_space<vmem>>, vector<1x16xf32>,
      %swap3A_162 = vector.shape_cast %swap3A_161 : vector<1x16xf32> to vector<16xf32>
      %swap3A_163 = vector.shape_cast %broadcast_in_dim3A_158 : vector<16xf32> to vector<1x16xf32>
      tpu.vector_store %arg9[%swap3A_159, %swap3A_160], %swap3A_163 {strides = array<i32>} : memref<128x128xf32, #tpu.memory_space<vmem>>, vector<1x16xf32>,
      %broadcast_in_dim3A_164 = arith.constant 0.000000e+00 : f32
      %broadcast_in_dim3A_165 = vector.broadcast %broadcast_in_dim3A_164 : f32 to vector<16xf32>
      %swap3A_166 = arith.index_cast %scan3A_129 : i32 to index
      %swap3A_167 = arith.constant 80 : index
      %swap3A_168 = tpu.vector_load %arg9[%swap3A_166, %swap3A_167] {strides = array<i32>} : memref<128x128xf32, #tpu.memory_space<vmem>>, vector<1x16xf32>,
      %swap3A_169 = vector.shape_cast %swap3A_168 : vector<1x16xf32> to vector<16xf32>
      %swap3A_170 = vector.shape_cast %broadcast_in_dim3A_165 : vector<16xf32> to vector<1x16xf32>
      tpu.vector_store %arg9[%swap3A_166, %swap3A_167], %swap3A_170 {strides = array<i32>} : memref<128x128xf32, #tpu.memory_space<vmem>>, vector<1x16xf32>,
      %broadcast_in_dim3A_171 = arith.constant 0.000000e+00 : f32
      %broadcast_in_dim3A_172 = vector.broadcast %broadcast_in_dim3A_171 : f32 to vector<16xf32>
      %swap3A_173 = arith.index_cast %scan3A_129 : i32 to index
      %swap3A_174 = arith.constant 96 : index
      %swap3A_175 = tpu.vector_load %arg9[%swap3A_173, %swap3A_174] {strides = array<i32>} : memref<128x128xf32, #tpu.memory_space<vmem>>, vector<1x16xf32>,
      %swap3A_176 = vector.shape_cast %swap3A_175 : vector<1x16xf32> to vector<16xf32>
      %swap3A_177 = vector.shape_cast %broadcast_in_dim3A_172 : vector<16xf32> to vector<1x16xf32>
      tpu.vector_store %arg9[%swap3A_173, %swap3A_174], %swap3A_177 {strides = array<i32>} : memref<128x128xf32, #tpu.memory_space<vmem>>, vector<1x16xf32>,
      %broadcast_in_dim3A_178 = arith.constant 0.000000e+00 : f32
      %broadcast_in_dim3A_179 = vector.broadcast %broadcast_in_dim3A_178 : f32 to vector<16xf32>
      %swap3A_180 = arith.index_cast %scan3A_129 : i32 to index
      %swap3A_181 = arith.constant 112 : index
      %swap3A_182 = tpu.vector_load %arg9[%swap3A_180, %swap3A_181] {strides = array<i32>} : memref<128x128xf32, #tpu.memory_space<vmem>>, vector<1x16xf32>,
      %swap3A_183 = vector.shape_cast %swap3A_182 : vector<1x16xf32> to vector<16xf32>
      %swap3A_184 = vector.shape_cast %broadcast_in_dim3A_179 : vector<16xf32> to vector<1x16xf32>
      tpu.vector_store %arg9[%swap3A_180, %swap3A_181], %swap3A_184 {strides = array<i32>} : memref<128x128xf32, #tpu.memory_space<vmem>>, vector<1x16xf32>,
      %scan3A_185 = arith.constant 0 : i32
      scf.yield %scan3A_185 : i32
    }
    %scan3A_6 = arith.constant 128 : i32
    %mul3A_7 = arith.constant 625 : i32
    %mul3A_8 = arith.muli %arg1, %mul3A_7 : i32
    %add3A_9 = arith.constant 0 : i32
    %add3A_10 = arith.addi %mul3A_8, %add3A_9 : i32
    "tpu.region"() ({
      %run_scoped3A = tpu.sem_alloc : memref<!tpu.dma_semaphore, #tpu.memory_space<semaphore_mem>>
      %dma_start3A_129 = arith.constant 0 : i32
      %dma_start3A_130 = tpu.memref_slice %arg11[%add3A_10, %dma_start3A_129] : memref<10016x128xf32, #tpu.memory_space<vmem_shared>> -> memref<128x128xf32, #tpu.memory_space<vmem_shared>>
      %dma_start3A_131 = arith.constant 0 : i32
      %dma_start3A_132 = tpu.memref_slice %arg11[%add3A_10, %dma_start3A_131] : memref<10016x128xf32, #tpu.memory_space<vmem_shared>> -> memref<128x128xf32, #tpu.memory_space<vmem_shared>>
      tpu.enqueue_dma source(%arg9 : memref<128x128xf32, #tpu.memory_space<vmem>>) target(%dma_start3A_132 : memref<128x128xf32, #tpu.memory_space<vmem_shared>>) target_semaphore(%run_scoped3A : memref<!tpu.dma_semaphore, #tpu.memory_space<semaphore_mem>>)
      %dma_wait3A_133 = arith.constant 0 : i32
      %dma_wait3A_134 = tpu.memref_slice %arg11[%add3A_10, %dma_wait3A_133] : memref<10016x128xf32, #tpu.memory_space<vmem_shared>> -> memref<128x128xf32, #tpu.memory_space<vmem_shared>>
      %dma_wait3A_135 = arith.constant 0 : i32
      %dma_wait3A_136 = tpu.memref_slice %arg11[%add3A_10, %dma_wait3A_135] : memref<10016x128xf32, #tpu.memory_space<vmem_shared>> -> memref<128x128xf32, #tpu.memory_space<vmem_shared>>
      tpu.wait_dma2 semaphore(%run_scoped3A : memref<!tpu.dma_semaphore, #tpu.memory_space<semaphore_mem>>) src(%arg9 : memref<128x128xf32, #tpu.memory_space<vmem>>) dst(%dma_wait3A_136 : memref<128x128xf32, #tpu.memory_space<vmem_shared>>)
      tpu.yield
    }) : () -> ()
    %mul3A_11 = arith.constant 625 : i32
    %mul3A_12 = arith.muli %arg1, %mul3A_11 : i32
    %add3A_13 = arith.constant 128 : i32
    %add3A_14 = arith.addi %mul3A_12, %add3A_13 : i32
    "tpu.region"() ({
      %run_scoped3A = tpu.sem_alloc : memref<!tpu.dma_semaphore, #tpu.memory_space<semaphore_mem>>
      %dma_start3A_129 = arith.constant 0 : i32
      %dma_start3A_130 = tpu.memref_slice %arg11[%add3A_14, %dma_start3A_129] : memref<10016x128xf32, #tpu.memory_space<vmem_shared>> -> memref<128x128xf32, #tpu.memory_space<vmem_shared>>
      %dma_start3A_131 = arith.constant 0 : i32
      %dma_start3A_132 = tpu.memref_slice %arg11[%add3A_14, %dma_start3A_131] : memref<10016x128xf32, #tpu.memory_space<vmem_shared>> -> memref<128x128xf32, #tpu.memory_space<vmem_shared>>
      tpu.enqueue_dma source(%arg9 : memref<128x128xf32, #tpu.memory_space<vmem>>) target(%dma_start3A_132 : memref<128x128xf32, #tpu.memory_space<vmem_shared>>) target_semaphore(%run_scoped3A : memref<!tpu.dma_semaphore, #tpu.memory_space<semaphore_mem>>)
      %dma_wait3A_133 = arith.constant 0 : i32
      %dma_wait3A_134 = tpu.memref_slice %arg11[%add3A_14, %dma_wait3A_133] : memref<10016x128xf32, #tpu.memory_space<vmem_shared>> -> memref<128x128xf32, #tpu.memory_space<vmem_shared>>
      %dma_wait3A_135 = arith.constant 0 : i32
      %dma_wait3A_136 = tpu.memref_slice %arg11[%add3A_14, %dma_wait3A_135] : memref<10016x128xf32, #tpu.memory_space<vmem_shared>> -> memref<128x128xf32, #tpu.memory_space<vmem_shared>>
      tpu.wait_dma2 semaphore(%run_scoped3A : memref<!tpu.dma_semaphore, #tpu.memory_space<semaphore_mem>>) src(%arg9 : memref<128x128xf32, #tpu.memory_space<vmem>>) dst(%dma_wait3A_136 : memref<128x128xf32, #tpu.memory_space<vmem_shared>>)
      tpu.yield
    }) : () -> ()
    %mul3A_15 = arith.constant 625 : i32
    %mul3A_16 = arith.muli %arg1, %mul3A_15 : i32
    %add3A_17 = arith.constant 256 : i32
    %add3A_18 = arith.addi %mul3A_16, %add3A_17 : i32
    "tpu.region"() ({
      %run_scoped3A = tpu.sem_alloc : memref<!tpu.dma_semaphore, #tpu.memory_space<semaphore_mem>>
      %dma_start3A_129 = arith.constant 0 : i32
      %dma_start3A_130 = tpu.memref_slice %arg11[%add3A_18, %dma_start3A_129] : memref<10016x128xf32, #tpu.memory_space<vmem_shared>> -> memref<128x128xf32, #tpu.memory_space<vmem_shared>>
      %dma_start3A_131 = arith.constant 0 : i32
      %dma_start3A_132 = tpu.memref_slice %arg11[%add3A_18, %dma_start3A_131] : memref<10016x128xf32, #tpu.memory_space<vmem_shared>> -> memref<128x128xf32, #tpu.memory_space<vmem_shared>>
      tpu.enqueue_dma source(%arg9 : memref<128x128xf32, #tpu.memory_space<vmem>>) target(%dma_start3A_132 : memref<128x128xf32, #tpu.memory_space<vmem_shared>>) target_semaphore(%run_scoped3A : memref<!tpu.dma_semaphore, #tpu.memory_space<semaphore_mem>>)
      %dma_wait3A_133 = arith.constant 0 : i32
      %dma_wait3A_134 = tpu.memref_slice %arg11[%add3A_18, %dma_wait3A_133] : memref<10016x128xf32, #tpu.memory_space<vmem_shared>> -> memref<128x128xf32, #tpu.memory_space<vmem_shared>>
      %dma_wait3A_135 = arith.constant 0 : i32
      %dma_wait3A_136 = tpu.memref_slice %arg11[%add3A_18, %dma_wait3A_135] : memref<10016x128xf32, #tpu.memory_space<vmem_shared>> -> memref<128x128xf32, #tpu.memory_space<vmem_shared>>
      tpu.wait_dma2 semaphore(%run_scoped3A : memref<!tpu.dma_semaphore, #tpu.memory_space<semaphore_mem>>) src(%arg9 : memref<128x128xf32, #tpu.memory_space<vmem>>) dst(%dma_wait3A_136 : memref<128x128xf32, #tpu.memory_space<vmem_shared>>)
      tpu.yield
    }) : () -> ()
    %mul3A_19 = arith.constant 625 : i32
    %mul3A_20 = arith.muli %arg1, %mul3A_19 : i32
    %add3A_21 = arith.constant 384 : i32
    %add3A_22 = arith.addi %mul3A_20, %add3A_21 : i32
    "tpu.region"() ({
      %run_scoped3A = tpu.sem_alloc : memref<!tpu.dma_semaphore, #tpu.memory_space<semaphore_mem>>
      %dma_start3A_129 = arith.constant 0 : i32
      %dma_start3A_130 = tpu.memref_slice %arg11[%add3A_22, %dma_start3A_129] : memref<10016x128xf32, #tpu.memory_space<vmem_shared>> -> memref<128x128xf32, #tpu.memory_space<vmem_shared>>
      %dma_start3A_131 = arith.constant 0 : i32
      %dma_start3A_132 = tpu.memref_slice %arg11[%add3A_22, %dma_start3A_131] : memref<10016x128xf32, #tpu.memory_space<vmem_shared>> -> memref<128x128xf32, #tpu.memory_space<vmem_shared>>
      tpu.enqueue_dma source(%arg9 : memref<128x128xf32, #tpu.memory_space<vmem>>) target(%dma_start3A_132 : memref<128x128xf32, #tpu.memory_space<vmem_shared>>) target_semaphore(%run_scoped3A : memref<!tpu.dma_semaphore, #tpu.memory_space<semaphore_mem>>)
      %dma_wait3A_133 = arith.constant 0 : i32
      %dma_wait3A_134 = tpu.memref_slice %arg11[%add3A_22, %dma_wait3A_133] : memref<10016x128xf32, #tpu.memory_space<vmem_shared>> -> memref<128x128xf32, #tpu.memory_space<vmem_shared>>
      %dma_wait3A_135 = arith.constant 0 : i32
      %dma_wait3A_136 = tpu.memref_slice %arg11[%add3A_22, %dma_wait3A_135] : memref<10016x128xf32, #tpu.memory_space<vmem_shared>> -> memref<128x128xf32, #tpu.memory_space<vmem_shared>>
      tpu.wait_dma2 semaphore(%run_scoped3A : memref<!tpu.dma_semaphore, #tpu.memory_space<semaphore_mem>>) src(%arg9 : memref<128x128xf32, #tpu.memory_space<vmem>>) dst(%dma_wait3A_136 : memref<128x128xf32, #tpu.memory_space<vmem_shared>>)
      tpu.yield
    }) : () -> ()
    %mul3A_23 = arith.constant 625 : i32
    %mul3A_24 = arith.muli %arg1, %mul3A_23 : i32
    %add3A_25 = arith.constant 512 : i32
    %add3A_26 = arith.addi %mul3A_24, %add3A_25 : i32
    "tpu.region"() ({
      %run_scoped3A = tpu.sem_alloc : memref<!tpu.dma_semaphore, #tpu.memory_space<semaphore_mem>>
      %dma_start3A_129 = arith.constant 0 : i32
      %dma_start3A_130 = arith.constant 0 : i32
      %dma_start3A_131 = tpu.memref_slice %arg9[%dma_start3A_129, %dma_start3A_130] : memref<128x128xf32, #tpu.memory_space<vmem>> -> memref<113x128xf32, #tpu.memory_space<vmem>>
      %dma_start3A_132 = arith.constant 0 : i32
      %dma_start3A_133 = tpu.memref_slice %arg11[%add3A_26, %dma_start3A_132] : memref<10016x128xf32, #tpu.memory_space<vmem_shared>> -> memref<113x128xf32, #tpu.memory_space<vmem_shared>>
      %dma_start3A_134 = arith.constant 0 : i32
      %dma_start3A_135 = tpu.memref_slice %arg11[%add3A_26, %dma_start3A_134] : memref<10016x128xf32, #tpu.memory_space<vmem_shared>> -> memref<113x128xf32, #tpu.memory_space<vmem_shared>>
      %dma_start3A_136 = arith.constant 0 : i32
      %dma_start3A_137 = arith.constant 0 : i32
      %dma_start3A_138 = tpu.memref_slice %arg9[%dma_start3A_136, %dma_start3A_137] : memref<128x128xf32, #tpu.memory_space<vmem>> -> memref<113x128xf32, #tpu.memory_space<vmem>>
      tpu.enqueue_dma source(%dma_start3A_138 : memref<113x128xf32, #tpu.memory_space<vmem>>) target(%dma_start3A_135 : memref<113x128xf32, #tpu.memory_space<vmem_shared>>) target_semaphore(%run_scoped3A : memref<!tpu.dma_semaphore, #tpu.memory_space<semaphore_mem>>)
      %dma_wait3A_139 = arith.constant 0 : i32
      %dma_wait3A_140 = arith.constant 0 : i32
      %dma_wait3A_141 = tpu.memref_slice %arg9[%dma_wait3A_139, %dma_wait3A_140] : memref<128x128xf32, #tpu.memory_space<vmem>> -> memref<113x128xf32, #tpu.memory_space<vmem>>
      %dma_wait3A_142 = arith.constant 0 : i32
      %dma_wait3A_143 = tpu.memref_slice %arg11[%add3A_26, %dma_wait3A_142] : memref<10016x128xf32, #tpu.memory_space<vmem_shared>> -> memref<113x128xf32, #tpu.memory_space<vmem_shared>>
      %dma_wait3A_144 = arith.constant 0 : i32
      %dma_wait3A_145 = tpu.memref_slice %arg11[%add3A_26, %dma_wait3A_144] : memref<10016x128xf32, #tpu.memory_space<vmem_shared>> -> memref<113x128xf32, #tpu.memory_space<vmem_shared>>
      %dma_wait3A_146 = arith.constant 0 : i32
      %dma_wait3A_147 = arith.constant 0 : i32
      %dma_wait3A_148 = tpu.memref_slice %arg9[%dma_wait3A_146, %dma_wait3A_147] : memref<128x128xf32, #tpu.memory_space<vmem>> -> memref<113x128xf32, #tpu.memory_space<vmem>>
      tpu.wait_dma2 semaphore(%run_scoped3A : memref<!tpu.dma_semaphore, #tpu.memory_space<semaphore_mem>>) src(%dma_wait3A_148 : memref<113x128xf32, #tpu.memory_space<vmem>>) dst(%dma_wait3A_145 : memref<113x128xf32, #tpu.memory_space<vmem_shared>>)
      tpu.yield
    }) : () -> ()
    %mul3A_27 = arith.constant 80 : i32
    %mul3A_28 = arith.muli %add3A, %mul3A_27 : i32
    "tpu.region"() ({
      %run_scoped3A = tpu.sem_alloc : memref<!tpu.dma_semaphore, #tpu.memory_space<semaphore_mem>>
      %dma_start3A_129 = arith.constant 0 : i32
      %dma_start3A_130 = tpu.memref_slice %arg4[%mul3A_28, %dma_start3A_129] : memref<2560x128xi32, #tpu.memory_space<hbm>> -> memref<80x128xi32, #tpu.memory_space<hbm>>
      %dma_start3A_131 = arith.constant 0 : i32
      %dma_start3A_132 = tpu.memref_slice %arg4[%mul3A_28, %dma_start3A_131] : memref<2560x128xi32, #tpu.memory_space<hbm>> -> memref<80x128xi32, #tpu.memory_space<hbm>>
      tpu.enqueue_dma source(%dma_start3A_132 : memref<80x128xi32, #tpu.memory_space<hbm>>) target(%arg6 : memref<80x128xi32, #tpu.memory_space<vmem>>) target_semaphore(%run_scoped3A : memref<!tpu.dma_semaphore, #tpu.memory_space<semaphore_mem>>)
      %dma_wait3A_133 = arith.constant 0 : i32
      %dma_wait3A_134 = tpu.memref_slice %arg4[%mul3A_28, %dma_wait3A_133] : memref<2560x128xi32, #tpu.memory_space<hbm>> -> memref<80x128xi32, #tpu.memory_space<hbm>>
      %dma_wait3A_135 = arith.constant 0 : i32
      %dma_wait3A_136 = tpu.memref_slice %arg4[%mul3A_28, %dma_wait3A_135] : memref<2560x128xi32, #tpu.memory_space<hbm>> -> memref<80x128xi32, #tpu.memory_space<hbm>>
      tpu.wait_dma2 semaphore(%run_scoped3A : memref<!tpu.dma_semaphore, #tpu.memory_space<semaphore_mem>>) src(%dma_wait3A_136 : memref<80x128xi32, #tpu.memory_space<hbm>>) dst(%arg6 : memref<80x128xi32, #tpu.memory_space<vmem>>)
      tpu.yield
    }) : () -> ()
    %barrier3A = arith.constant 0 : index
    tpu.barrier barrier_id(%barrier3A)
    %mul3A_29 = arith.constant 10112 : i32
    %mul3A_30 = arith.muli %add3A, %mul3A_29 : i32
    %add3A_31 = arith.constant 0 : i32
    %add3A_32 = arith.addi %mul3A_30, %add3A_31 : i32
    %multiple_of3A = tpu.assume_multiple %add3A_32, 8 : i32
    "tpu.region"() ({
      %run_scoped3A = tpu.sem_alloc : memref<!tpu.dma_semaphore, #tpu.memory_space<semaphore_mem>>
      %dma_start3A_129 = tpu.memref_slice %arg3[%multiple_of3A] : memref<323584xi32, #tpu.memory_space<hbm>> -> memref<128xi32, #tpu.memory_space<hbm>>
      %dma_start3A_130 = tpu.memref_slice %arg3[%multiple_of3A] : memref<323584xi32, #tpu.memory_space<hbm>> -> memref<128xi32, #tpu.memory_space<hbm>>
      tpu.enqueue_dma source(%dma_start3A_130 : memref<128xi32, #tpu.memory_space<hbm>>) target(%arg7 : memref<128xi32, #tpu.memory_space<vmem>>) target_semaphore(%run_scoped3A : memref<!tpu.dma_semaphore, #tpu.memory_space<semaphore_mem>>)
      %dma_wait3A_131 = tpu.memref_slice %arg3[%multiple_of3A] : memref<323584xi32, #tpu.memory_space<hbm>> -> memref<128xi32, #tpu.memory_space<hbm>>
      %dma_wait3A_132 = tpu.memref_slice %arg3[%multiple_of3A] : memref<323584xi32, #tpu.memory_space<hbm>> -> memref<128xi32, #tpu.memory_space<hbm>>
      tpu.wait_dma2 semaphore(%run_scoped3A : memref<!tpu.dma_semaphore, #tpu.memory_space<semaphore_mem>>) src(%dma_wait3A_132 : memref<128xi32, #tpu.memory_space<hbm>>) dst(%arg7 : memref<128xi32, #tpu.memory_space<vmem>>)
      tpu.yield
    }) : () -> ()
    %dma_start3A = arith.constant 0 : i32
    %dma_start3A_33 = arith.constant 0 : i32
    %dma_start3A_34 = tpu.memref_slice %arg2[%dma_start3A, %dma_start3A_33] : memref<10000x128xf32, #tpu.memory_space<hbm>> -> memref<10000x128xf32, #tpu.memory_space<hbm>>
    tpu.enqueue_indirect_dma source(%dma_start3A_34 : memref<10000x128xf32, #tpu.memory_space<hbm>>) target(%arg9 : memref<128x128xf32, #tpu.memory_space<vmem>>) offsets(%arg7 : memref<128xi32, #tpu.memory_space<vmem>>) semaphore(%arg12 : memref<!tpu.dma_semaphore, #tpu.memory_space<semaphore_mem>>)
    %mul3A_35 = arith.constant 10112 : i32
    %mul3A_36 = arith.muli %add3A, %mul3A_35 : i32
    %add3A_37 = arith.constant 128 : i32
    %add3A_38 = arith.addi %mul3A_36, %add3A_37 : i32
    %multiple_of3A_39 = tpu.assume_multiple %add3A_38, 8 : i32
    %dma_start3A_40 = tpu.memref_slice %arg3[%multiple_of3A_39] : memref<323584xi32, #tpu.memory_space<hbm>> -> memref<128xi32, #tpu.memory_space<hbm>>
    %dma_start3A_41 = tpu.memref_slice %arg3[%multiple_of3A_39] : memref<323584xi32, #tpu.memory_space<hbm>> -> memref<128xi32, #tpu.memory_space<hbm>>
    tpu.enqueue_dma source(%dma_start3A_41 : memref<128xi32, #tpu.memory_space<hbm>>) target(%arg8 : memref<128xi32, #tpu.memory_space<vmem>>) target_semaphore(%arg17 : memref<!tpu.dma_semaphore, #tpu.memory_space<semaphore_mem>>)
    %dma_wait3A = arith.constant 0 : i32
    %dma_wait3A_42 = arith.constant 0 : i32
    %dma_wait3A_43 = tpu.memref_slice %arg2[%dma_wait3A, %dma_wait3A_42] : memref<10000x128xf32, #tpu.memory_space<hbm>> -> memref<10000x128xf32, #tpu.memory_space<hbm>>
    tpu.wait_indirect_dma semaphore(%arg12 : memref<!tpu.dma_semaphore, #tpu.memory_space<semaphore_mem>>) src(%dma_wait3A_43 : memref<10000x128xf32, #tpu.memory_space<hbm>>) dst(%arg9 : memref<128x128xf32, #tpu.memory_space<vmem>>)
    %mul3A_44 = arith.constant 10112 : i32
    %mul3A_45 = arith.muli %add3A, %mul3A_44 : i32
    %add3A_46 = arith.constant 128 : i32
    %add3A_47 = arith.addi %mul3A_45, %add3A_46 : i32
    %multiple_of3A_48 = tpu.assume_multiple %add3A_47, 8 : i32
    %dma_wait3A_49 = tpu.memref_slice %arg3[%multiple_of3A_48] : memref<323584xi32, #tpu.memory_space<hbm>> -> memref<128xi32, #tpu.memory_space<hbm>>
    %dma_wait3A_50 = tpu.memref_slice %arg3[%multiple_of3A_48] : memref<323584xi32, #tpu.memory_space<hbm>> -> memref<128xi32, #tpu.memory_space<hbm>>
    tpu.wait_dma2 semaphore(%arg17 : memref<!tpu.dma_semaphore, #tpu.memory_space<semaphore_mem>>) src(%dma_wait3A_50 : memref<128xi32, #tpu.memory_space<hbm>>) dst(%arg8 : memref<128xi32, #tpu.memory_space<vmem>>)
    %dma_start3A_51 = arith.constant 0 : i32
    %dma_start3A_52 = arith.constant 0 : i32
    %dma_start3A_53 = tpu.memref_slice %arg2[%dma_start3A_51, %dma_start3A_52] : memref<10000x128xf32, #tpu.memory_space<hbm>> -> memref<10000x128xf32, #tpu.memory_space<hbm>>
    tpu.enqueue_indirect_dma source(%dma_start3A_53 : memref<10000x128xf32, #tpu.memory_space<hbm>>) target(%arg10 : memref<128x128xf32, #tpu.memory_space<vmem>>) offsets(%arg8 : memref<128xi32, #tpu.memory_space<vmem>>) semaphore(%arg13 : memref<!tpu.dma_semaphore, #tpu.memory_space<semaphore_mem>>)
    %mul3A_54 = arith.constant 10112 : i32
    %mul3A_55 = arith.muli %add3A, %mul3A_54 : i32
    %add3A_56 = arith.constant 256 : i32
    %add3A_57 = arith.addi %mul3A_55, %add3A_56 : i32
    %multiple_of3A_58 = tpu.assume_multiple %add3A_57, 8 : i32
    %dma_start3A_59 = tpu.memref_slice %arg3[%multiple_of3A_58] : memref<323584xi32, #tpu.memory_space<hbm>> -> memref<128xi32, #tpu.memory_space<hbm>>
    %dma_start3A_60 = tpu.memref_slice %arg3[%multiple_of3A_58] : memref<323584xi32, #tpu.memory_space<hbm>> -> memref<128xi32, #tpu.memory_space<hbm>>
    tpu.enqueue_dma source(%dma_start3A_60 : memref<128xi32, #tpu.memory_space<hbm>>) target(%arg7 : memref<128xi32, #tpu.memory_space<vmem>>) target_semaphore(%arg16 : memref<!tpu.dma_semaphore, #tpu.memory_space<semaphore_mem>>)
    %dma_start3A_61 = arith.constant 0 : i32
    %dma_start3A_62 = arith.constant 0 : i32
    %dma_start3A_63 = tpu.memref_slice %arg6[%dma_start3A_61, %dma_start3A_62] : memref<80x128xi32, #tpu.memory_space<vmem>> -> memref<1x128xi32, #tpu.memory_space<vmem>>
    %dma_start3A_64 = tpu.memref_squeeze %dma_start3A_63 : memref<1x128xi32, #tpu.memory_space<vmem>> -> memref<128xi32, #tpu.memory_space<vmem>>
    %dma_start3A_65 = arith.constant 0 : i32
    %dma_start3A_66 = arith.constant 0 : i32
    %dma_start3A_67 = tpu.memref_slice %arg11[%dma_start3A_65, %dma_start3A_66] : memref<10016x128xf32, #tpu.memory_space<vmem_shared>> -> memref<10016x128xf32, #tpu.memory_space<vmem_shared>>
    tpu.enqueue_indirect_dma source(%arg9 : memref<128x128xf32, #tpu.memory_space<vmem>>) target(%dma_start3A_67 : memref<10016x128xf32, #tpu.memory_space<vmem_shared>>) offsets(%dma_start3A_64 : memref<128xi32, #tpu.memory_space<vmem>>) semaphore(%arg14 : memref<!tpu.dma_semaphore, #tpu.memory_space<semaphore_mem>>) {add = true}
    %scan3A_68 = arith.constant 0 : i32
    %scan3A_69 = arith.constant 0 : i32
    %scan3A_70 = arith.constant 38 : i32
    %scan3A_71 = arith.addi %scan3A_69, %scan3A_70 : i32
    %scan3A_72 = arith.constant 1 : i32
    %scan3A_73 = scf.for %scan3A_129 = %scan3A_69 to %scan3A_71 step %scan3A_72 iter_args(%scan3A_130 = %scan3A_68) -> (i32)  : i32 {
      %mul3A_131 = arith.constant 2 : i32
      %mul3A_132 = arith.muli %mul3A_131, %scan3A_129 : i32
      %add3A_133 = arith.constant 1 : i32
      %add3A_134 = arith.addi %mul3A_132, %add3A_133 : i32
      %dma_wait3A_135 = arith.constant 0 : i32
      %dma_wait3A_136 = arith.constant 0 : i32
      %dma_wait3A_137 = tpu.memref_slice %arg2[%dma_wait3A_135, %dma_wait3A_136] : memref<10000x128xf32, #tpu.memory_space<hbm>> -> memref<10000x128xf32, #tpu.memory_space<hbm>>
      tpu.wait_indirect_dma semaphore(%arg13 : memref<!tpu.dma_semaphore, #tpu.memory_space<semaphore_mem>>) src(%dma_wait3A_137 : memref<10000x128xf32, #tpu.memory_space<hbm>>) dst(%arg10 : memref<128x128xf32, #tpu.memory_space<vmem>>)
      %sub3A = arith.constant 1 : i32
      %sub3A_138 = arith.subi %add3A_134, %sub3A : i32
      %dma_wait3A_139 = arith.constant 0 : i32
      %dma_wait3A_140 = tpu.memref_slice %arg6[%sub3A_138, %dma_wait3A_139] : memref<80x128xi32, #tpu.memory_space<vmem>> -> memref<1x128xi32, #tpu.memory_space<vmem>>
      %dma_wait3A_141 = tpu.memref_squeeze %dma_wait3A_140 : memref<1x128xi32, #tpu.memory_space<vmem>> -> memref<128xi32, #tpu.memory_space<vmem>>
      %dma_wait3A_142 = arith.constant 0 : i32
      %dma_wait3A_143 = arith.constant 0 : i32
      %dma_wait3A_144 = tpu.memref_slice %arg11[%dma_wait3A_142, %dma_wait3A_143] : memref<10016x128xf32, #tpu.memory_space<vmem_shared>> -> memref<10016x128xf32, #tpu.memory_space<vmem_shared>>
      tpu.wait_indirect_dma semaphore(%arg14 : memref<!tpu.dma_semaphore, #tpu.memory_space<semaphore_mem>>) src(%arg9 : memref<128x128xf32, #tpu.memory_space<vmem>>) dst(%dma_wait3A_144 : memref<10016x128xf32, #tpu.memory_space<vmem_shared>>)
      %add3A_145 = arith.constant 1 : i32
      %add3A_146 = arith.addi %add3A_134, %add3A_145 : i32
      %mul3A_147 = arith.constant 10112 : i32
      %mul3A_148 = arith.muli %add3A, %mul3A_147 : i32
      %mul3A_149 = arith.constant 128 : i32
      %mul3A_150 = arith.muli %add3A_146, %mul3A_149 : i32
      %add3A_151 = arith.addi %mul3A_148, %mul3A_150 : i32
      %multiple_of3A_152 = tpu.assume_multiple %add3A_151, 8 : i32
      %dma_wait3A_153 = tpu.memref_slice %arg3[%multiple_of3A_152] : memref<323584xi32, #tpu.memory_space<hbm>> -> memref<128xi32, #tpu.memory_space<hbm>>
      %dma_wait3A_154 = tpu.memref_slice %arg3[%multiple_of3A_152] : memref<323584xi32, #tpu.memory_space<hbm>> -> memref<128xi32, #tpu.memory_space<hbm>>
      tpu.wait_dma2 semaphore(%arg16 : memref<!tpu.dma_semaphore, #tpu.memory_space<semaphore_mem>>) src(%dma_wait3A_154 : memref<128xi32, #tpu.memory_space<hbm>>) dst(%arg7 : memref<128xi32, #tpu.memory_space<vmem>>)
      %dma_start3A_155 = arith.constant 0 : i32
      %dma_start3A_156 = arith.constant 0 : i32
      %dma_start3A_157 = tpu.memref_slice %arg2[%dma_start3A_155, %dma_start3A_156] : memref<10000x128xf32, #tpu.memory_space<hbm>> -> memref<10000x128xf32, #tpu.memory_space<hbm>>
      tpu.enqueue_indirect_dma source(%dma_start3A_157 : memref<10000x128xf32, #tpu.memory_space<hbm>>) target(%arg9 : memref<128x128xf32, #tpu.memory_space<vmem>>) offsets(%arg7 : memref<128xi32, #tpu.memory_space<vmem>>) semaphore(%arg12 : memref<!tpu.dma_semaphore, #tpu.memory_space<semaphore_mem>>)
      %add3A_158 = arith.constant 2 : i32
      %add3A_159 = arith.addi %add3A_134, %add3A_158 : i32
      %mul3A_160 = arith.constant 10112 : i32
      %mul3A_161 = arith.muli %add3A, %mul3A_160 : i32
      %mul3A_162 = arith.constant 128 : i32
      %mul3A_163 = arith.muli %add3A_159, %mul3A_162 : i32
      %add3A_164 = arith.addi %mul3A_161, %mul3A_163 : i32
      %multiple_of3A_165 = tpu.assume_multiple %add3A_164, 8 : i32
      %dma_start3A_166 = tpu.memref_slice %arg3[%multiple_of3A_165] : memref<323584xi32, #tpu.memory_space<hbm>> -> memref<128xi32, #tpu.memory_space<hbm>>
      %dma_start3A_167 = tpu.memref_slice %arg3[%multiple_of3A_165] : memref<323584xi32, #tpu.memory_space<hbm>> -> memref<128xi32, #tpu.memory_space<hbm>>
      tpu.enqueue_dma source(%dma_start3A_167 : memref<128xi32, #tpu.memory_space<hbm>>) target(%arg8 : memref<128xi32, #tpu.memory_space<vmem>>) target_semaphore(%arg17 : memref<!tpu.dma_semaphore, #tpu.memory_space<semaphore_mem>>)
      %dma_start3A_168 = arith.constant 0 : i32
      %dma_start3A_169 = tpu.memref_slice %arg6[%add3A_134, %dma_start3A_168] : memref<80x128xi32, #tpu.memory_space<vmem>> -> memref<1x128xi32, #tpu.memory_space<vmem>>
      %dma_start3A_170 = tpu.memref_squeeze %dma_start3A_169 : memref<1x128xi32, #tpu.memory_space<vmem>> -> memref<128xi32, #tpu.memory_space<vmem>>
      %dma_start3A_171 = arith.constant 0 : i32
      %dma_start3A_172 = arith.constant 0 : i32
      %dma_start3A_173 = tpu.memref_slice %arg11[%dma_start3A_171, %dma_start3A_172] : memref<10016x128xf32, #tpu.memory_space<vmem_shared>> -> memref<10016x128xf32, #tpu.memory_space<vmem_shared>>
      tpu.enqueue_indirect_dma source(%arg10 : memref<128x128xf32, #tpu.memory_space<vmem>>) target(%dma_start3A_173 : memref<10016x128xf32, #tpu.memory_space<vmem_shared>>) offsets(%dma_start3A_170 : memref<128xi32, #tpu.memory_space<vmem>>) semaphore(%arg15 : memref<!tpu.dma_semaphore, #tpu.memory_space<semaphore_mem>>) {add = true}
      %dma_wait3A_174 = arith.constant 0 : i32
      %dma_wait3A_175 = arith.constant 0 : i32
      %dma_wait3A_176 = tpu.memref_slice %arg2[%dma_wait3A_174, %dma_wait3A_175] : memref<10000x128xf32, #tpu.memory_space<hbm>> -> memref<10000x128xf32, #tpu.memory_space<hbm>>
      tpu.wait_indirect_dma semaphore(%arg12 : memref<!tpu.dma_semaphore, #tpu.memory_space<semaphore_mem>>) src(%dma_wait3A_176 : memref<10000x128xf32, #tpu.memory_space<hbm>>) dst(%arg9 : memref<128x128xf32, #tpu.memory_space<vmem>>)
      %dma_wait3A_177 = arith.constant 0 : i32
      %dma_wait3A_178 = tpu.memref_slice %arg6[%add3A_134, %dma_wait3A_177] : memref<80x128xi32, #tpu.memory_space<vmem>> -> memref<1x128xi32, #tpu.memory_space<vmem>>
      %dma_wait3A_179 = tpu.memref_squeeze %dma_wait3A_178 : memref<1x128xi32, #tpu.memory_space<vmem>> -> memref<128xi32, #tpu.memory_space<vmem>>
      %dma_wait3A_180 = arith.constant 0 : i32
      %dma_wait3A_181 = arith.constant 0 : i32
      %dma_wait3A_182 = tpu.memref_slice %arg11[%dma_wait3A_180, %dma_wait3A_181] : memref<10016x128xf32, #tpu.memory_space<vmem_shared>> -> memref<10016x128xf32, #tpu.memory_space<vmem_shared>>
      tpu.wait_indirect_dma semaphore(%arg15 : memref<!tpu.dma_semaphore, #tpu.memory_space<semaphore_mem>>) src(%arg10 : memref<128x128xf32, #tpu.memory_space<vmem>>) dst(%dma_wait3A_182 : memref<10016x128xf32, #tpu.memory_space<vmem_shared>>)
      %add3A_183 = arith.constant 2 : i32
      %add3A_184 = arith.addi %add3A_134, %add3A_183 : i32
      %mul3A_185 = arith.constant 10112 : i32
      %mul3A_186 = arith.muli %add3A, %mul3A_185 : i32
      %mul3A_187 = arith.constant 128 : i32
      %mul3A_188 = arith.muli %add3A_184, %mul3A_187 : i32
      %add3A_189 = arith.addi %mul3A_186, %mul3A_188 : i32
      %multiple_of3A_190 = tpu.assume_multiple %add3A_189, 8 : i32
      %dma_wait3A_191 = tpu.memref_slice %arg3[%multiple_of3A_190] : memref<323584xi32, #tpu.memory_space<hbm>> -> memref<128xi32, #tpu.memory_space<hbm>>
      %dma_wait3A_192 = tpu.memref_slice %arg3[%multiple_of3A_190] : memref<323584xi32, #tpu.memory_space<hbm>> -> memref<128xi32, #tpu.memory_space<hbm>>
      tpu.wait_dma2 semaphore(%arg17 : memref<!tpu.dma_semaphore, #tpu.memory_space<semaphore_mem>>) src(%dma_wait3A_192 : memref<128xi32, #tpu.memory_space<hbm>>) dst(%arg8 : memref<128xi32, #tpu.memory_space<vmem>>)
      %dma_start3A_193 = arith.constant 0 : i32
      %dma_start3A_194 = arith.constant 0 : i32
      %dma_start3A_195 = tpu.memref_slice %arg2[%dma_start3A_193, %dma_start3A_194] : memref<10000x128xf32, #tpu.memory_space<hbm>> -> memref<10000x128xf32, #tpu.memory_space<hbm>>
      tpu.enqueue_indirect_dma source(%dma_start3A_195 : memref<10000x128xf32, #tpu.memory_space<hbm>>) target(%arg10 : memref<128x128xf32, #tpu.memory_space<vmem>>) offsets(%arg8 : memref<128xi32, #tpu.memory_space<vmem>>) semaphore(%arg13 : memref<!tpu.dma_semaphore, #tpu.memory_space<semaphore_mem>>)
      %add3A_196 = arith.constant 3 : i32
      %add3A_197 = arith.addi %add3A_134, %add3A_196 : i32
      %mul3A_198 = arith.constant 10112 : i32
      %mul3A_199 = arith.muli %add3A, %mul3A_198 : i32
      %mul3A_200 = arith.constant 128 : i32
      %mul3A_201 = arith.muli %add3A_197, %mul3A_200 : i32
      %add3A_202 = arith.addi %mul3A_199, %mul3A_201 : i32
      %multiple_of3A_203 = tpu.assume_multiple %add3A_202, 8 : i32
      %dma_start3A_204 = tpu.memref_slice %arg3[%multiple_of3A_203] : memref<323584xi32, #tpu.memory_space<hbm>> -> memref<128xi32, #tpu.memory_space<hbm>>
      %dma_start3A_205 = tpu.memref_slice %arg3[%multiple_of3A_203] : memref<323584xi32, #tpu.memory_space<hbm>> -> memref<128xi32, #tpu.memory_space<hbm>>
      tpu.enqueue_dma source(%dma_start3A_205 : memref<128xi32, #tpu.memory_space<hbm>>) target(%arg7 : memref<128xi32, #tpu.memory_space<vmem>>) target_semaphore(%arg16 : memref<!tpu.dma_semaphore, #tpu.memory_space<semaphore_mem>>)
      %add3A_206 = arith.constant 1 : i32
      %add3A_207 = arith.addi %add3A_134, %add3A_206 : i32
      %dma_start3A_208 = arith.constant 0 : i32
      %dma_start3A_209 = tpu.memref_slice %arg6[%add3A_207, %dma_start3A_208] : memref<80x128xi32, #tpu.memory_space<vmem>> -> memref<1x128xi32, #tpu.memory_space<vmem>>
      %dma_start3A_210 = tpu.memref_squeeze %dma_start3A_209 : memref<1x128xi32, #tpu.memory_space<vmem>> -> memref<128xi32, #tpu.memory_space<vmem>>
      %dma_start3A_211 = arith.constant 0 : i32
      %dma_start3A_212 = arith.constant 0 : i32
      %dma_start3A_213 = tpu.memref_slice %arg11[%dma_start3A_211, %dma_start3A_212] : memref<10016x128xf32, #tpu.memory_space<vmem_shared>> -> memref<10016x128xf32, #tpu.memory_space<vmem_shared>>
      tpu.enqueue_indirect_dma source(%arg9 : memref<128x128xf32, #tpu.memory_space<vmem>>) target(%dma_start3A_213 : memref<10016x128xf32, #tpu.memory_space<vmem_shared>>) offsets(%dma_start3A_210 : memref<128xi32, #tpu.memory_space<vmem>>) semaphore(%arg14 : memref<!tpu.dma_semaphore, #tpu.memory_space<semaphore_mem>>) {add = true}
      %scan3A_214 = arith.constant 0 : i32
      scf.yield %scan3A_214 : i32
    }
    %scan3A_74 = arith.constant 38 : i32
    %dma_wait3A_75 = arith.constant 0 : i32
    %dma_wait3A_76 = arith.constant 0 : i32
    %dma_wait3A_77 = tpu.memref_slice %arg2[%dma_wait3A_75, %dma_wait3A_76] : memref<10000x128xf32, #tpu.memory_space<hbm>> -> memref<10000x128xf32, #tpu.memory_space<hbm>>
    tpu.wait_indirect_dma semaphore(%arg13 : memref<!tpu.dma_semaphore, #tpu.memory_space<semaphore_mem>>) src(%dma_wait3A_77 : memref<10000x128xf32, #tpu.memory_space<hbm>>) dst(%arg10 : memref<128x128xf32, #tpu.memory_space<vmem>>)
    %dma_wait3A_78 = arith.constant 76 : i32
    %dma_wait3A_79 = arith.constant 0 : i32
    %dma_wait3A_80 = tpu.memref_slice %arg6[%dma_wait3A_78, %dma_wait3A_79] : memref<80x128xi32, #tpu.memory_space<vmem>> -> memref<1x128xi32, #tpu.memory_space<vmem>>
    %dma_wait3A_81 = tpu.memref_squeeze %dma_wait3A_80 : memref<1x128xi32, #tpu.memory_space<vmem>> -> memref<128xi32, #tpu.memory_space<vmem>>
    %dma_wait3A_82 = arith.constant 0 : i32
    %dma_wait3A_83 = arith.constant 0 : i32
    %dma_wait3A_84 = tpu.memref_slice %arg11[%dma_wait3A_82, %dma_wait3A_83] : memref<10016x128xf32, #tpu.memory_space<vmem_shared>> -> memref<10016x128xf32, #tpu.memory_space<vmem_shared>>
    tpu.wait_indirect_dma semaphore(%arg14 : memref<!tpu.dma_semaphore, #tpu.memory_space<semaphore_mem>>) src(%arg9 : memref<128x128xf32, #tpu.memory_space<vmem>>) dst(%dma_wait3A_84 : memref<10016x128xf32, #tpu.memory_space<vmem_shared>>)
    %mul3A_85 = arith.constant 10112 : i32
    %mul3A_86 = arith.muli %add3A, %mul3A_85 : i32
    %add3A_87 = arith.constant 9984 : i32
    %add3A_88 = arith.addi %mul3A_86, %add3A_87 : i32
    %multiple_of3A_89 = tpu.assume_multiple %add3A_88, 8 : i32
    %dma_wait3A_90 = tpu.memref_slice %arg3[%multiple_of3A_89] : memref<323584xi32, #tpu.memory_space<hbm>> -> memref<128xi32, #tpu.memory_space<hbm>>
    %dma_wait3A_91 = tpu.memref_slice %arg3[%multiple_of3A_89] : memref<323584xi32, #tpu.memory_space<hbm>> -> memref<128xi32, #tpu.memory_space<hbm>>
    tpu.wait_dma2 semaphore(%arg16 : memref<!tpu.dma_semaphore, #tpu.memory_space<semaphore_mem>>) src(%dma_wait3A_91 : memref<128xi32, #tpu.memory_space<hbm>>) dst(%arg7 : memref<128xi32, #tpu.memory_space<vmem>>)
    %dma_start3A_92 = arith.constant 0 : i32
    %dma_start3A_93 = arith.constant 0 : i32
    %dma_start3A_94 = tpu.memref_slice %arg2[%dma_start3A_92, %dma_start3A_93] : memref<10000x128xf32, #tpu.memory_space<hbm>> -> memref<10000x128xf32, #tpu.memory_space<hbm>>
    tpu.enqueue_indirect_dma source(%dma_start3A_94 : memref<10000x128xf32, #tpu.memory_space<hbm>>) target(%arg9 : memref<128x128xf32, #tpu.memory_space<vmem>>) offsets(%arg7 : memref<128xi32, #tpu.memory_space<vmem>>) semaphore(%arg12 : memref<!tpu.dma_semaphore, #tpu.memory_space<semaphore_mem>>)
    %dma_start3A_95 = arith.constant 77 : i32
    %dma_start3A_96 = arith.constant 0 : i32
    %dma_start3A_97 = tpu.memref_slice %arg6[%dma_start3A_95, %dma_start3A_96] : memref<80x128xi32, #tpu.memory_space<vmem>> -> memref<1x128xi32, #tpu.memory_space<vmem>>
    %dma_start3A_98 = tpu.memref_squeeze %dma_start3A_97 : memref<1x128xi32, #tpu.memory_space<vmem>> -> memref<128xi32, #tpu.memory_space<vmem>>
    %dma_start3A_99 = arith.constant 0 : i32
    %dma_start3A_100 = arith.constant 0 : i32
    %dma_start3A_101 = tpu.memref_slice %arg11[%dma_start3A_99, %dma_start3A_100] : memref<10016x128xf32, #tpu.memory_space<vmem_shared>> -> memref<10016x128xf32, #tpu.memory_space<vmem_shared>>
    tpu.enqueue_indirect_dma source(%arg10 : memref<128x128xf32, #tpu.memory_space<vmem>>) target(%dma_start3A_101 : memref<10016x128xf32, #tpu.memory_space<vmem_shared>>) offsets(%dma_start3A_98 : memref<128xi32, #tpu.memory_space<vmem>>) semaphore(%arg15 : memref<!tpu.dma_semaphore, #tpu.memory_space<semaphore_mem>>) {add = true}
    %dma_wait3A_102 = arith.constant 0 : i32
    %dma_wait3A_103 = arith.constant 0 : i32
    %dma_wait3A_104 = tpu.memref_slice %arg2[%dma_wait3A_102, %dma_wait3A_103] : memref<10000x128xf32, #tpu.memory_space<hbm>> -> memref<10000x128xf32, #tpu.memory_space<hbm>>
    tpu.wait_indirect_dma semaphore(%arg12 : memref<!tpu.dma_semaphore, #tpu.memory_space<semaphore_mem>>) src(%dma_wait3A_104 : memref<10000x128xf32, #tpu.memory_space<hbm>>) dst(%arg9 : memref<128x128xf32, #tpu.memory_space<vmem>>)
    %dma_wait3A_105 = arith.constant 77 : i32
    %dma_wait3A_106 = arith.constant 0 : i32
    %dma_wait3A_107 = tpu.memref_slice %arg6[%dma_wait3A_105, %dma_wait3A_106] : memref<80x128xi32, #tpu.memory_space<vmem>> -> memref<1x128xi32, #tpu.memory_space<vmem>>
    %dma_wait3A_108 = tpu.memref_squeeze %dma_wait3A_107 : memref<1x128xi32, #tpu.memory_space<vmem>> -> memref<128xi32, #tpu.memory_space<vmem>>
    %dma_wait3A_109 = arith.constant 0 : i32
    %dma_wait3A_110 = arith.constant 0 : i32
    %dma_wait3A_111 = tpu.memref_slice %arg11[%dma_wait3A_109, %dma_wait3A_110] : memref<10016x128xf32, #tpu.memory_space<vmem_shared>> -> memref<10016x128xf32, #tpu.memory_space<vmem_shared>>
    tpu.wait_indirect_dma semaphore(%arg15 : memref<!tpu.dma_semaphore, #tpu.memory_space<semaphore_mem>>) src(%arg10 : memref<128x128xf32, #tpu.memory_space<vmem>>) dst(%dma_wait3A_111 : memref<10016x128xf32, #tpu.memory_space<vmem_shared>>)
    %dma_start3A_112 = arith.constant 78 : i32
    %dma_start3A_113 = arith.constant 0 : i32
    %dma_start3A_114 = tpu.memref_slice %arg6[%dma_start3A_112, %dma_start3A_113] : memref<80x128xi32, #tpu.memory_space<vmem>> -> memref<1x128xi32, #tpu.memory_space<vmem>>
    %dma_start3A_115 = tpu.memref_squeeze %dma_start3A_114 : memref<1x128xi32, #tpu.memory_space<vmem>> -> memref<128xi32, #tpu.memory_space<vmem>>
    %dma_start3A_116 = arith.constant 0 : i32
    %dma_start3A_117 = arith.constant 0 : i32
    %dma_start3A_118 = tpu.memref_slice %arg11[%dma_start3A_116, %dma_start3A_117] : memref<10016x128xf32, #tpu.memory_space<vmem_shared>> -> memref<10016x128xf32, #tpu.memory_space<vmem_shared>>
    tpu.enqueue_indirect_dma source(%arg9 : memref<128x128xf32, #tpu.memory_space<vmem>>) target(%dma_start3A_118 : memref<10016x128xf32, #tpu.memory_space<vmem_shared>>) offsets(%dma_start3A_115 : memref<128xi32, #tpu.memory_space<vmem>>) semaphore(%arg14 : memref<!tpu.dma_semaphore, #tpu.memory_space<semaphore_mem>>) {add = true}
    %dma_wait3A_119 = arith.constant 78 : i32
    %dma_wait3A_120 = arith.constant 0 : i32
    %dma_wait3A_121 = tpu.memref_slice %arg6[%dma_wait3A_119, %dma_wait3A_120] : memref<80x128xi32, #tpu.memory_space<vmem>> -> memref<1x128xi32, #tpu.memory_space<vmem>>
    %dma_wait3A_122 = tpu.memref_squeeze %dma_wait3A_121 : memref<1x128xi32, #tpu.memory_space<vmem>> -> memref<128xi32, #tpu.memory_space<vmem>>
    %dma_wait3A_123 = arith.constant 0 : i32
    %dma_wait3A_124 = arith.constant 0 : i32
    %dma_wait3A_125 = tpu.memref_slice %arg11[%dma_wait3A_123, %dma_wait3A_124] : memref<10016x128xf32, #tpu.memory_space<vmem_shared>> -> memref<10016x128xf32, #tpu.memory_space<vmem_shared>>
    tpu.wait_indirect_dma semaphore(%arg14 : memref<!tpu.dma_semaphore, #tpu.memory_space<semaphore_mem>>) src(%arg9 : memref<128x128xf32, #tpu.memory_space<vmem>>) dst(%dma_wait3A_125 : memref<10016x128xf32, #tpu.memory_space<vmem_shared>>)
    %barrier3A_126 = arith.constant 0 : index
    tpu.barrier barrier_id(%barrier3A_126)
    %mul3A_127 = arith.constant 625 : i32
    %mul3A_128 = arith.muli %arg1, %mul3A_127 : i32
    "tpu.region"() ({
      %run_scoped3A = tpu.sem_alloc : memref<!tpu.dma_semaphore, #tpu.memory_space<semaphore_mem>>
      %dma_start3A_129 = arith.constant 0 : i32
      %dma_start3A_130 = arith.constant 0 : i32
      %dma_start3A_131 = tpu.memref_slice %arg5[%add3A, %dma_start3A_129, %dma_start3A_130] : memref<32x625x128xf32, #tpu.memory_space<hbm>> -> memref<1x625x128xf32, #tpu.memory_space<hbm>>
      %dma_start3A_132 = tpu.memref_squeeze %dma_start3A_131 : memref<1x625x128xf32, #tpu.memory_space<hbm>> -> memref<625x128xf32, #tpu.memory_space<hbm>>
      %dma_start3A_133 = arith.constant 0 : i32
      %dma_start3A_134 = tpu.memref_slice %arg11[%mul3A_128, %dma_start3A_133] : memref<10016x128xf32, #tpu.memory_space<vmem_shared>> -> memref<625x128xf32, #tpu.memory_space<vmem_shared>>
      tpu.enqueue_dma source(%dma_start3A_134 : memref<625x128xf32, #tpu.memory_space<vmem_shared>>) target(%dma_start3A_132 : memref<625x128xf32, #tpu.memory_space<hbm>>) target_semaphore(%run_scoped3A : memref<!tpu.dma_semaphore, #tpu.memory_space<semaphore_mem>>)
      %dma_wait3A_135 = arith.constant 0 : i32
      %dma_wait3A_136 = arith.constant 0 : i32
      %dma_wait3A_137 = tpu.memref_slice %arg5[%add3A, %dma_wait3A_135, %dma_wait3A_136] : memref<32x625x128xf32, #tpu.memory_space<hbm>> -> memref<1x625x128xf32, #tpu.memory_space<hbm>>
      %dma_wait3A_138 = tpu.memref_squeeze %dma_wait3A_137 : memref<1x625x128xf32, #tpu.memory_space<hbm>> -> memref<625x128xf32, #tpu.memory_space<hbm>>
      %dma_wait3A_139 = arith.constant 0 : i32
      %dma_wait3A_140 = tpu.memref_slice %arg11[%mul3A_128, %dma_wait3A_139] : memref<10016x128xf32, #tpu.memory_space<vmem_shared>> -> memref<625x128xf32, #tpu.memory_space<vmem_shared>>
      tpu.wait_dma2 semaphore(%run_scoped3A : memref<!tpu.dma_semaphore, #tpu.memory_space<semaphore_mem>>) src(%dma_wait3A_140 : memref<625x128xf32, #tpu.memory_space<vmem_shared>>) dst(%dma_wait3A_138 : memref<625x128xf32, #tpu.memory_space<hbm>>)
      tpu.yield
    }) : () -> ()
    return
  }
}

#map = affine_map<(d0, d1) -> (0, 0)>
#map1 = affine_map<(d0, d1) -> (0, 0, 0)>
module attributes {stable_mosaic.version = 14 : i64} {
  func.func @_sc_histogram(%arg0: i32, %arg1: i32, %arg2: memref<2560x128xi32, #tpu.memory_space<hbm>>, %arg3: memref<32x625x128xf32, #tpu.memory_space<hbm>>, %arg4: memref<80x128xi32, #tpu.memory_space<vmem>>, %arg5: memref<128x128xf32, #tpu.memory_space<vmem>>, %arg6: memref<125x128xf32, #tpu.memory_space<vmem>>, %arg7: memref<10016x128xf32, #tpu.memory_space<vmem_shared>>, %arg8: memref<!tpu.dma_semaphore, #tpu.memory_space<semaphore_mem>>) attributes {dimension_semantics = [#tpu.dimension_semantics<core_parallel>, #tpu.dimension_semantics<subcore_parallel>], iteration_bounds = array<i64: 2, 16>, scalar_prefetch = 0 : i64, scratch_operands = 5 : i64, tpu.core_type = #tpu.core_type<sc_vector_subcore>, window_params = [{transform_indices = #map}, {transform_indices = #map1}]} {
    %mul3A = arith.constant 16 : i32
    %mul3A_0 = arith.muli %arg0, %mul3A : i32
    %add3A = arith.addi %mul3A_0, %arg1 : i32
    %scan3A = arith.constant 0 : i32
    %scan3A_1 = arith.constant 0 : i32
    %scan3A_2 = arith.constant 128 : i32
    %scan3A_3 = arith.addi %scan3A_1, %scan3A_2 : i32
    %scan3A_4 = arith.constant 1 : i32
    %scan3A_5 = scf.for %scan3A_156 = %scan3A_1 to %scan3A_3 step %scan3A_4 iter_args(%scan3A_157 = %scan3A) -> (i32)  : i32 {
      %broadcast_in_dim3A = arith.constant 1.000000e+00 : f32
      %broadcast_in_dim3A_158 = vector.broadcast %broadcast_in_dim3A : f32 to vector<16xf32>
      %swap3A = arith.index_cast %scan3A_156 : i32 to index
      %swap3A_159 = arith.constant 0 : index
      %swap3A_160 = tpu.vector_load %arg5[%swap3A, %swap3A_159] {strides = array<i32>} : memref<128x128xf32, #tpu.memory_space<vmem>>, vector<1x16xf32>,
      %swap3A_161 = vector.shape_cast %swap3A_160 : vector<1x16xf32> to vector<16xf32>
      %swap3A_162 = vector.shape_cast %broadcast_in_dim3A_158 : vector<16xf32> to vector<1x16xf32>
      tpu.vector_store %arg5[%swap3A, %swap3A_159], %swap3A_162 {strides = array<i32>} : memref<128x128xf32, #tpu.memory_space<vmem>>, vector<1x16xf32>,
      %broadcast_in_dim3A_163 = arith.constant 1.000000e+00 : f32
      %broadcast_in_dim3A_164 = vector.broadcast %broadcast_in_dim3A_163 : f32 to vector<16xf32>
      %swap3A_165 = arith.index_cast %scan3A_156 : i32 to index
      %swap3A_166 = arith.constant 16 : index
      %swap3A_167 = tpu.vector_load %arg5[%swap3A_165, %swap3A_166] {strides = array<i32>} : memref<128x128xf32, #tpu.memory_space<vmem>>, vector<1x16xf32>,
      %swap3A_168 = vector.shape_cast %swap3A_167 : vector<1x16xf32> to vector<16xf32>
      %swap3A_169 = vector.shape_cast %broadcast_in_dim3A_164 : vector<16xf32> to vector<1x16xf32>
      tpu.vector_store %arg5[%swap3A_165, %swap3A_166], %swap3A_169 {strides = array<i32>} : memref<128x128xf32, #tpu.memory_space<vmem>>, vector<1x16xf32>,
      %broadcast_in_dim3A_170 = arith.constant 1.000000e+00 : f32
      %broadcast_in_dim3A_171 = vector.broadcast %broadcast_in_dim3A_170 : f32 to vector<16xf32>
      %swap3A_172 = arith.index_cast %scan3A_156 : i32 to index
      %swap3A_173 = arith.constant 32 : index
      %swap3A_174 = tpu.vector_load %arg5[%swap3A_172, %swap3A_173] {strides = array<i32>} : memref<128x128xf32, #tpu.memory_space<vmem>>, vector<1x16xf32>,
      %swap3A_175 = vector.shape_cast %swap3A_174 : vector<1x16xf32> to vector<16xf32>
      %swap3A_176 = vector.shape_cast %broadcast_in_dim3A_171 : vector<16xf32> to vector<1x16xf32>
      tpu.vector_store %arg5[%swap3A_172, %swap3A_173], %swap3A_176 {strides = array<i32>} : memref<128x128xf32, #tpu.memory_space<vmem>>, vector<1x16xf32>,
      %broadcast_in_dim3A_177 = arith.constant 1.000000e+00 : f32
      %broadcast_in_dim3A_178 = vector.broadcast %broadcast_in_dim3A_177 : f32 to vector<16xf32>
      %swap3A_179 = arith.index_cast %scan3A_156 : i32 to index
      %swap3A_180 = arith.constant 48 : index
      %swap3A_181 = tpu.vector_load %arg5[%swap3A_179, %swap3A_180] {strides = array<i32>} : memref<128x128xf32, #tpu.memory_space<vmem>>, vector<1x16xf32>,
      %swap3A_182 = vector.shape_cast %swap3A_181 : vector<1x16xf32> to vector<16xf32>
      %swap3A_183 = vector.shape_cast %broadcast_in_dim3A_178 : vector<16xf32> to vector<1x16xf32>
      tpu.vector_store %arg5[%swap3A_179, %swap3A_180], %swap3A_183 {strides = array<i32>} : memref<128x128xf32, #tpu.memory_space<vmem>>, vector<1x16xf32>,
      %broadcast_in_dim3A_184 = arith.constant 1.000000e+00 : f32
      %broadcast_in_dim3A_185 = vector.broadcast %broadcast_in_dim3A_184 : f32 to vector<16xf32>
      %swap3A_186 = arith.index_cast %scan3A_156 : i32 to index
      %swap3A_187 = arith.constant 64 : index
      %swap3A_188 = tpu.vector_load %arg5[%swap3A_186, %swap3A_187] {strides = array<i32>} : memref<128x128xf32, #tpu.memory_space<vmem>>, vector<1x16xf32>,
      %swap3A_189 = vector.shape_cast %swap3A_188 : vector<1x16xf32> to vector<16xf32>
      %swap3A_190 = vector.shape_cast %broadcast_in_dim3A_185 : vector<16xf32> to vector<1x16xf32>
      tpu.vector_store %arg5[%swap3A_186, %swap3A_187], %swap3A_190 {strides = array<i32>} : memref<128x128xf32, #tpu.memory_space<vmem>>, vector<1x16xf32>,
      %broadcast_in_dim3A_191 = arith.constant 1.000000e+00 : f32
      %broadcast_in_dim3A_192 = vector.broadcast %broadcast_in_dim3A_191 : f32 to vector<16xf32>
      %swap3A_193 = arith.index_cast %scan3A_156 : i32 to index
      %swap3A_194 = arith.constant 80 : index
      %swap3A_195 = tpu.vector_load %arg5[%swap3A_193, %swap3A_194] {strides = array<i32>} : memref<128x128xf32, #tpu.memory_space<vmem>>, vector<1x16xf32>,
      %swap3A_196 = vector.shape_cast %swap3A_195 : vector<1x16xf32> to vector<16xf32>
      %swap3A_197 = vector.shape_cast %broadcast_in_dim3A_192 : vector<16xf32> to vector<1x16xf32>
      tpu.vector_store %arg5[%swap3A_193, %swap3A_194], %swap3A_197 {strides = array<i32>} : memref<128x128xf32, #tpu.memory_space<vmem>>, vector<1x16xf32>,
      %broadcast_in_dim3A_198 = arith.constant 1.000000e+00 : f32
      %broadcast_in_dim3A_199 = vector.broadcast %broadcast_in_dim3A_198 : f32 to vector<16xf32>
      %swap3A_200 = arith.index_cast %scan3A_156 : i32 to index
      %swap3A_201 = arith.constant 96 : index
      %swap3A_202 = tpu.vector_load %arg5[%swap3A_200, %swap3A_201] {strides = array<i32>} : memref<128x128xf32, #tpu.memory_space<vmem>>, vector<1x16xf32>,
      %swap3A_203 = vector.shape_cast %swap3A_202 : vector<1x16xf32> to vector<16xf32>
      %swap3A_204 = vector.shape_cast %broadcast_in_dim3A_199 : vector<16xf32> to vector<1x16xf32>
      tpu.vector_store %arg5[%swap3A_200, %swap3A_201], %swap3A_204 {strides = array<i32>} : memref<128x128xf32, #tpu.memory_space<vmem>>, vector<1x16xf32>,
      %broadcast_in_dim3A_205 = arith.constant 1.000000e+00 : f32
      %broadcast_in_dim3A_206 = vector.broadcast %broadcast_in_dim3A_205 : f32 to vector<16xf32>
      %swap3A_207 = arith.index_cast %scan3A_156 : i32 to index
      %swap3A_208 = arith.constant 112 : index
      %swap3A_209 = tpu.vector_load %arg5[%swap3A_207, %swap3A_208] {strides = array<i32>} : memref<128x128xf32, #tpu.memory_space<vmem>>, vector<1x16xf32>,
      %swap3A_210 = vector.shape_cast %swap3A_209 : vector<1x16xf32> to vector<16xf32>
      %swap3A_211 = vector.shape_cast %broadcast_in_dim3A_206 : vector<16xf32> to vector<1x16xf32>
      tpu.vector_store %arg5[%swap3A_207, %swap3A_208], %swap3A_211 {strides = array<i32>} : memref<128x128xf32, #tpu.memory_space<vmem>>, vector<1x16xf32>,
      %scan3A_212 = arith.constant 0 : i32
      scf.yield %scan3A_212 : i32
    }
    %scan3A_6 = arith.constant 128 : i32
    %scan3A_7 = arith.constant 0 : i32
    %scan3A_8 = arith.constant 0 : i32
    %scan3A_9 = arith.constant 125 : i32
    %scan3A_10 = arith.addi %scan3A_8, %scan3A_9 : i32
    %scan3A_11 = arith.constant 1 : i32
    %scan3A_12 = scf.for %scan3A_156 = %scan3A_8 to %scan3A_10 step %scan3A_11 iter_args(%scan3A_157 = %scan3A_7) -> (i32)  : i32 {
      %broadcast_in_dim3A = arith.constant 0.000000e+00 : f32
      %broadcast_in_dim3A_158 = vector.broadcast %broadcast_in_dim3A : f32 to vector<16xf32>
      %swap3A = arith.index_cast %scan3A_156 : i32 to index
      %swap3A_159 = arith.constant 0 : index
      %swap3A_160 = tpu.vector_load %arg6[%swap3A, %swap3A_159] {strides = array<i32>} : memref<125x128xf32, #tpu.memory_space<vmem>>, vector<1x16xf32>,
      %swap3A_161 = vector.shape_cast %swap3A_160 : vector<1x16xf32> to vector<16xf32>
      %swap3A_162 = vector.shape_cast %broadcast_in_dim3A_158 : vector<16xf32> to vector<1x16xf32>
      tpu.vector_store %arg6[%swap3A, %swap3A_159], %swap3A_162 {strides = array<i32>} : memref<125x128xf32, #tpu.memory_space<vmem>>, vector<1x16xf32>,
      %broadcast_in_dim3A_163 = arith.constant 0.000000e+00 : f32
      %broadcast_in_dim3A_164 = vector.broadcast %broadcast_in_dim3A_163 : f32 to vector<16xf32>
      %swap3A_165 = arith.index_cast %scan3A_156 : i32 to index
      %swap3A_166 = arith.constant 16 : index
      %swap3A_167 = tpu.vector_load %arg6[%swap3A_165, %swap3A_166] {strides = array<i32>} : memref<125x128xf32, #tpu.memory_space<vmem>>, vector<1x16xf32>,
      %swap3A_168 = vector.shape_cast %swap3A_167 : vector<1x16xf32> to vector<16xf32>
      %swap3A_169 = vector.shape_cast %broadcast_in_dim3A_164 : vector<16xf32> to vector<1x16xf32>
      tpu.vector_store %arg6[%swap3A_165, %swap3A_166], %swap3A_169 {strides = array<i32>} : memref<125x128xf32, #tpu.memory_space<vmem>>, vector<1x16xf32>,
      %broadcast_in_dim3A_170 = arith.constant 0.000000e+00 : f32
      %broadcast_in_dim3A_171 = vector.broadcast %broadcast_in_dim3A_170 : f32 to vector<16xf32>
      %swap3A_172 = arith.index_cast %scan3A_156 : i32 to index
      %swap3A_173 = arith.constant 32 : index
      %swap3A_174 = tpu.vector_load %arg6[%swap3A_172, %swap3A_173] {strides = array<i32>} : memref<125x128xf32, #tpu.memory_space<vmem>>, vector<1x16xf32>,
      %swap3A_175 = vector.shape_cast %swap3A_174 : vector<1x16xf32> to vector<16xf32>
      %swap3A_176 = vector.shape_cast %broadcast_in_dim3A_171 : vector<16xf32> to vector<1x16xf32>
      tpu.vector_store %arg6[%swap3A_172, %swap3A_173], %swap3A_176 {strides = array<i32>} : memref<125x128xf32, #tpu.memory_space<vmem>>, vector<1x16xf32>,
      %broadcast_in_dim3A_177 = arith.constant 0.000000e+00 : f32
      %broadcast_in_dim3A_178 = vector.broadcast %broadcast_in_dim3A_177 : f32 to vector<16xf32>
      %swap3A_179 = arith.index_cast %scan3A_156 : i32 to index
      %swap3A_180 = arith.constant 48 : index
      %swap3A_181 = tpu.vector_load %arg6[%swap3A_179, %swap3A_180] {strides = array<i32>} : memref<125x128xf32, #tpu.memory_space<vmem>>, vector<1x16xf32>,
      %swap3A_182 = vector.shape_cast %swap3A_181 : vector<1x16xf32> to vector<16xf32>
      %swap3A_183 = vector.shape_cast %broadcast_in_dim3A_178 : vector<16xf32> to vector<1x16xf32>
      tpu.vector_store %arg6[%swap3A_179, %swap3A_180], %swap3A_183 {strides = array<i32>} : memref<125x128xf32, #tpu.memory_space<vmem>>, vector<1x16xf32>,
      %broadcast_in_dim3A_184 = arith.constant 0.000000e+00 : f32
      %broadcast_in_dim3A_185 = vector.broadcast %broadcast_in_dim3A_184 : f32 to vector<16xf32>
      %swap3A_186 = arith.index_cast %scan3A_156 : i32 to index
      %swap3A_187 = arith.constant 64 : index
      %swap3A_188 = tpu.vector_load %arg6[%swap3A_186, %swap3A_187] {strides = array<i32>} : memref<125x128xf32, #tpu.memory_space<vmem>>, vector<1x16xf32>,
      %swap3A_189 = vector.shape_cast %swap3A_188 : vector<1x16xf32> to vector<16xf32>
      %swap3A_190 = vector.shape_cast %broadcast_in_dim3A_185 : vector<16xf32> to vector<1x16xf32>
      tpu.vector_store %arg6[%swap3A_186, %swap3A_187], %swap3A_190 {strides = array<i32>} : memref<125x128xf32, #tpu.memory_space<vmem>>, vector<1x16xf32>,
      %broadcast_in_dim3A_191 = arith.constant 0.000000e+00 : f32
      %broadcast_in_dim3A_192 = vector.broadcast %broadcast_in_dim3A_191 : f32 to vector<16xf32>
      %swap3A_193 = arith.index_cast %scan3A_156 : i32 to index
      %swap3A_194 = arith.constant 80 : index
      %swap3A_195 = tpu.vector_load %arg6[%swap3A_193, %swap3A_194] {strides = array<i32>} : memref<125x128xf32, #tpu.memory_space<vmem>>, vector<1x16xf32>,
      %swap3A_196 = vector.shape_cast %swap3A_195 : vector<1x16xf32> to vector<16xf32>
      %swap3A_197 = vector.shape_cast %broadcast_in_dim3A_192 : vector<16xf32> to vector<1x16xf32>
      tpu.vector_store %arg6[%swap3A_193, %swap3A_194], %swap3A_197 {strides = array<i32>} : memref<125x128xf32, #tpu.memory_space<vmem>>, vector<1x16xf32>,
      %broadcast_in_dim3A_198 = arith.constant 0.000000e+00 : f32
      %broadcast_in_dim3A_199 = vector.broadcast %broadcast_in_dim3A_198 : f32 to vector<16xf32>
      %swap3A_200 = arith.index_cast %scan3A_156 : i32 to index
      %swap3A_201 = arith.constant 96 : index
      %swap3A_202 = tpu.vector_load %arg6[%swap3A_200, %swap3A_201] {strides = array<i32>} : memref<125x128xf32, #tpu.memory_space<vmem>>, vector<1x16xf32>,
      %swap3A_203 = vector.shape_cast %swap3A_202 : vector<1x16xf32> to vector<16xf32>
      %swap3A_204 = vector.shape_cast %broadcast_in_dim3A_199 : vector<16xf32> to vector<1x16xf32>
      tpu.vector_store %arg6[%swap3A_200, %swap3A_201], %swap3A_204 {strides = array<i32>} : memref<125x128xf32, #tpu.memory_space<vmem>>, vector<1x16xf32>,
      %broadcast_in_dim3A_205 = arith.constant 0.000000e+00 : f32
      %broadcast_in_dim3A_206 = vector.broadcast %broadcast_in_dim3A_205 : f32 to vector<16xf32>
      %swap3A_207 = arith.index_cast %scan3A_156 : i32 to index
      %swap3A_208 = arith.constant 112 : index
      %swap3A_209 = tpu.vector_load %arg6[%swap3A_207, %swap3A_208] {strides = array<i32>} : memref<125x128xf32, #tpu.memory_space<vmem>>, vector<1x16xf32>,
      %swap3A_210 = vector.shape_cast %swap3A_209 : vector<1x16xf32> to vector<16xf32>
      %swap3A_211 = vector.shape_cast %broadcast_in_dim3A_206 : vector<16xf32> to vector<1x16xf32>
      tpu.vector_store %arg6[%swap3A_207, %swap3A_208], %swap3A_211 {strides = array<i32>} : memref<125x128xf32, #tpu.memory_space<vmem>>, vector<1x16xf32>,
      %scan3A_212 = arith.constant 0 : i32
      scf.yield %scan3A_212 : i32
    }
    %scan3A_13 = arith.constant 125 : i32
    %mul3A_14 = arith.constant 625 : i32
    %mul3A_15 = arith.muli %arg1, %mul3A_14 : i32
    %add3A_16 = arith.constant 0 : i32
    %add3A_17 = arith.addi %mul3A_15, %add3A_16 : i32
    "tpu.region"() ({
      %run_scoped3A = tpu.sem_alloc : memref<!tpu.dma_semaphore, #tpu.memory_space<semaphore_mem>>
      %dma_start3A_156 = arith.constant 0 : i32
      %dma_start3A_157 = tpu.memref_slice %arg7[%add3A_17, %dma_start3A_156] : memref<10016x128xf32, #tpu.memory_space<vmem_shared>> -> memref<125x128xf32, #tpu.memory_space<vmem_shared>>
      %dma_start3A_158 = arith.constant 0 : i32
      %dma_start3A_159 = tpu.memref_slice %arg7[%add3A_17, %dma_start3A_158] : memref<10016x128xf32, #tpu.memory_space<vmem_shared>> -> memref<125x128xf32, #tpu.memory_space<vmem_shared>>
      tpu.enqueue_dma source(%arg6 : memref<125x128xf32, #tpu.memory_space<vmem>>) target(%dma_start3A_159 : memref<125x128xf32, #tpu.memory_space<vmem_shared>>) target_semaphore(%run_scoped3A : memref<!tpu.dma_semaphore, #tpu.memory_space<semaphore_mem>>)
      %dma_wait3A_160 = arith.constant 0 : i32
      %dma_wait3A_161 = tpu.memref_slice %arg7[%add3A_17, %dma_wait3A_160] : memref<10016x128xf32, #tpu.memory_space<vmem_shared>> -> memref<125x128xf32, #tpu.memory_space<vmem_shared>>
      %dma_wait3A_162 = arith.constant 0 : i32
      %dma_wait3A_163 = tpu.memref_slice %arg7[%add3A_17, %dma_wait3A_162] : memref<10016x128xf32, #tpu.memory_space<vmem_shared>> -> memref<125x128xf32, #tpu.memory_space<vmem_shared>>
      tpu.wait_dma2 semaphore(%run_scoped3A : memref<!tpu.dma_semaphore, #tpu.memory_space<semaphore_mem>>) src(%arg6 : memref<125x128xf32, #tpu.memory_space<vmem>>) dst(%dma_wait3A_163 : memref<125x128xf32, #tpu.memory_space<vmem_shared>>)
      tpu.yield
    }) : () -> ()
    %mul3A_18 = arith.constant 625 : i32
    %mul3A_19 = arith.muli %arg1, %mul3A_18 : i32
    %add3A_20 = arith.constant 125 : i32
    %add3A_21 = arith.addi %mul3A_19, %add3A_20 : i32
    "tpu.region"() ({
      %run_scoped3A = tpu.sem_alloc : memref<!tpu.dma_semaphore, #tpu.memory_space<semaphore_mem>>
      %dma_start3A_156 = arith.constant 0 : i32
      %dma_start3A_157 = tpu.memref_slice %arg7[%add3A_21, %dma_start3A_156] : memref<10016x128xf32, #tpu.memory_space<vmem_shared>> -> memref<125x128xf32, #tpu.memory_space<vmem_shared>>
      %dma_start3A_158 = arith.constant 0 : i32
      %dma_start3A_159 = tpu.memref_slice %arg7[%add3A_21, %dma_start3A_158] : memref<10016x128xf32, #tpu.memory_space<vmem_shared>> -> memref<125x128xf32, #tpu.memory_space<vmem_shared>>
      tpu.enqueue_dma source(%arg6 : memref<125x128xf32, #tpu.memory_space<vmem>>) target(%dma_start3A_159 : memref<125x128xf32, #tpu.memory_space<vmem_shared>>) target_semaphore(%run_scoped3A : memref<!tpu.dma_semaphore, #tpu.memory_space<semaphore_mem>>)
      %dma_wait3A_160 = arith.constant 0 : i32
      %dma_wait3A_161 = tpu.memref_slice %arg7[%add3A_21, %dma_wait3A_160] : memref<10016x128xf32, #tpu.memory_space<vmem_shared>> -> memref<125x128xf32, #tpu.memory_space<vmem_shared>>
      %dma_wait3A_162 = arith.constant 0 : i32
      %dma_wait3A_163 = tpu.memref_slice %arg7[%add3A_21, %dma_wait3A_162] : memref<10016x128xf32, #tpu.memory_space<vmem_shared>> -> memref<125x128xf32, #tpu.memory_space<vmem_shared>>
      tpu.wait_dma2 semaphore(%run_scoped3A : memref<!tpu.dma_semaphore, #tpu.memory_space<semaphore_mem>>) src(%arg6 : memref<125x128xf32, #tpu.memory_space<vmem>>) dst(%dma_wait3A_163 : memref<125x128xf32, #tpu.memory_space<vmem_shared>>)
      tpu.yield
    }) : () -> ()
    %mul3A_22 = arith.constant 625 : i32
    %mul3A_23 = arith.muli %arg1, %mul3A_22 : i32
    %add3A_24 = arith.constant 250 : i32
    %add3A_25 = arith.addi %mul3A_23, %add3A_24 : i32
    "tpu.region"() ({
      %run_scoped3A = tpu.sem_alloc : memref<!tpu.dma_semaphore, #tpu.memory_space<semaphore_mem>>
      %dma_start3A_156 = arith.constant 0 : i32
      %dma_start3A_157 = tpu.memref_slice %arg7[%add3A_25, %dma_start3A_156] : memref<10016x128xf32, #tpu.memory_space<vmem_shared>> -> memref<125x128xf32, #tpu.memory_space<vmem_shared>>
      %dma_start3A_158 = arith.constant 0 : i32
      %dma_start3A_159 = tpu.memref_slice %arg7[%add3A_25, %dma_start3A_158] : memref<10016x128xf32, #tpu.memory_space<vmem_shared>> -> memref<125x128xf32, #tpu.memory_space<vmem_shared>>
      tpu.enqueue_dma source(%arg6 : memref<125x128xf32, #tpu.memory_space<vmem>>) target(%dma_start3A_159 : memref<125x128xf32, #tpu.memory_space<vmem_shared>>) target_semaphore(%run_scoped3A : memref<!tpu.dma_semaphore, #tpu.memory_space<semaphore_mem>>)
      %dma_wait3A_160 = arith.constant 0 : i32
      %dma_wait3A_161 = tpu.memref_slice %arg7[%add3A_25, %dma_wait3A_160] : memref<10016x128xf32, #tpu.memory_space<vmem_shared>> -> memref<125x128xf32, #tpu.memory_space<vmem_shared>>
      %dma_wait3A_162 = arith.constant 0 : i32
      %dma_wait3A_163 = tpu.memref_slice %arg7[%add3A_25, %dma_wait3A_162] : memref<10016x128xf32, #tpu.memory_space<vmem_shared>> -> memref<125x128xf32, #tpu.memory_space<vmem_shared>>
      tpu.wait_dma2 semaphore(%run_scoped3A : memref<!tpu.dma_semaphore, #tpu.memory_space<semaphore_mem>>) src(%arg6 : memref<125x128xf32, #tpu.memory_space<vmem>>) dst(%dma_wait3A_163 : memref<125x128xf32, #tpu.memory_space<vmem_shared>>)
      tpu.yield
    }) : () -> ()
    %mul3A_26 = arith.constant 625 : i32
    %mul3A_27 = arith.muli %arg1, %mul3A_26 : i32
    %add3A_28 = arith.constant 375 : i32
    %add3A_29 = arith.addi %mul3A_27, %add3A_28 : i32
    "tpu.region"() ({
      %run_scoped3A = tpu.sem_alloc : memref<!tpu.dma_semaphore, #tpu.memory_space<semaphore_mem>>
      %dma_start3A_156 = arith.constant 0 : i32
      %dma_start3A_157 = tpu.memref_slice %arg7[%add3A_29, %dma_start3A_156] : memref<10016x128xf32, #tpu.memory_space<vmem_shared>> -> memref<125x128xf32, #tpu.memory_space<vmem_shared>>
      %dma_start3A_158 = arith.constant 0 : i32
      %dma_start3A_159 = tpu.memref_slice %arg7[%add3A_29, %dma_start3A_158] : memref<10016x128xf32, #tpu.memory_space<vmem_shared>> -> memref<125x128xf32, #tpu.memory_space<vmem_shared>>
      tpu.enqueue_dma source(%arg6 : memref<125x128xf32, #tpu.memory_space<vmem>>) target(%dma_start3A_159 : memref<125x128xf32, #tpu.memory_space<vmem_shared>>) target_semaphore(%run_scoped3A : memref<!tpu.dma_semaphore, #tpu.memory_space<semaphore_mem>>)
      %dma_wait3A_160 = arith.constant 0 : i32
      %dma_wait3A_161 = tpu.memref_slice %arg7[%add3A_29, %dma_wait3A_160] : memref<10016x128xf32, #tpu.memory_space<vmem_shared>> -> memref<125x128xf32, #tpu.memory_space<vmem_shared>>
      %dma_wait3A_162 = arith.constant 0 : i32
      %dma_wait3A_163 = tpu.memref_slice %arg7[%add3A_29, %dma_wait3A_162] : memref<10016x128xf32, #tpu.memory_space<vmem_shared>> -> memref<125x128xf32, #tpu.memory_space<vmem_shared>>
      tpu.wait_dma2 semaphore(%run_scoped3A : memref<!tpu.dma_semaphore, #tpu.memory_space<semaphore_mem>>) src(%arg6 : memref<125x128xf32, #tpu.memory_space<vmem>>) dst(%dma_wait3A_163 : memref<125x128xf32, #tpu.memory_space<vmem_shared>>)
      tpu.yield
    }) : () -> ()
    %mul3A_30 = arith.constant 625 : i32
    %mul3A_31 = arith.muli %arg1, %mul3A_30 : i32
    %add3A_32 = arith.constant 500 : i32
    %add3A_33 = arith.addi %mul3A_31, %add3A_32 : i32
    "tpu.region"() ({
      %run_scoped3A = tpu.sem_alloc : memref<!tpu.dma_semaphore, #tpu.memory_space<semaphore_mem>>
      %dma_start3A_156 = arith.constant 0 : i32
      %dma_start3A_157 = tpu.memref_slice %arg7[%add3A_33, %dma_start3A_156] : memref<10016x128xf32, #tpu.memory_space<vmem_shared>> -> memref<125x128xf32, #tpu.memory_space<vmem_shared>>
      %dma_start3A_158 = arith.constant 0 : i32
      %dma_start3A_159 = tpu.memref_slice %arg7[%add3A_33, %dma_start3A_158] : memref<10016x128xf32, #tpu.memory_space<vmem_shared>> -> memref<125x128xf32, #tpu.memory_space<vmem_shared>>
      tpu.enqueue_dma source(%arg6 : memref<125x128xf32, #tpu.memory_space<vmem>>) target(%dma_start3A_159 : memref<125x128xf32, #tpu.memory_space<vmem_shared>>) target_semaphore(%run_scoped3A : memref<!tpu.dma_semaphore, #tpu.memory_space<semaphore_mem>>)
      %dma_wait3A_160 = arith.constant 0 : i32
      %dma_wait3A_161 = tpu.memref_slice %arg7[%add3A_33, %dma_wait3A_160] : memref<10016x128xf32, #tpu.memory_space<vmem_shared>> -> memref<125x128xf32, #tpu.memory_space<vmem_shared>>
      %dma_wait3A_162 = arith.constant 0 : i32
      %dma_wait3A_163 = tpu.memref_slice %arg7[%add3A_33, %dma_wait3A_162] : memref<10016x128xf32, #tpu.memory_space<vmem_shared>> -> memref<125x128xf32, #tpu.memory_space<vmem_shared>>
      tpu.wait_dma2 semaphore(%run_scoped3A : memref<!tpu.dma_semaphore, #tpu.memory_space<semaphore_mem>>) src(%arg6 : memref<125x128xf32, #tpu.memory_space<vmem>>) dst(%dma_wait3A_163 : memref<125x128xf32, #tpu.memory_space<vmem_shared>>)
      tpu.yield
    }) : () -> ()
    %mul3A_34 = arith.constant 80 : i32
    %mul3A_35 = arith.muli %add3A, %mul3A_34 : i32
    "tpu.region"() ({
      %run_scoped3A = tpu.sem_alloc : memref<!tpu.dma_semaphore, #tpu.memory_space<semaphore_mem>>
      %dma_start3A_156 = arith.constant 0 : i32
      %dma_start3A_157 = tpu.memref_slice %arg2[%mul3A_35, %dma_start3A_156] : memref<2560x128xi32, #tpu.memory_space<hbm>> -> memref<80x128xi32, #tpu.memory_space<hbm>>
      %dma_start3A_158 = arith.constant 0 : i32
      %dma_start3A_159 = tpu.memref_slice %arg2[%mul3A_35, %dma_start3A_158] : memref<2560x128xi32, #tpu.memory_space<hbm>> -> memref<80x128xi32, #tpu.memory_space<hbm>>
      tpu.enqueue_dma source(%dma_start3A_159 : memref<80x128xi32, #tpu.memory_space<hbm>>) target(%arg4 : memref<80x128xi32, #tpu.memory_space<vmem>>) target_semaphore(%run_scoped3A : memref<!tpu.dma_semaphore, #tpu.memory_space<semaphore_mem>>)
      %dma_wait3A_160 = arith.constant 0 : i32
      %dma_wait3A_161 = tpu.memref_slice %arg2[%mul3A_35, %dma_wait3A_160] : memref<2560x128xi32, #tpu.memory_space<hbm>> -> memref<80x128xi32, #tpu.memory_space<hbm>>
      %dma_wait3A_162 = arith.constant 0 : i32
      %dma_wait3A_163 = tpu.memref_slice %arg2[%mul3A_35, %dma_wait3A_162] : memref<2560x128xi32, #tpu.memory_space<hbm>> -> memref<80x128xi32, #tpu.memory_space<hbm>>
      tpu.wait_dma2 semaphore(%run_scoped3A : memref<!tpu.dma_semaphore, #tpu.memory_space<semaphore_mem>>) src(%dma_wait3A_163 : memref<80x128xi32, #tpu.memory_space<hbm>>) dst(%arg4 : memref<80x128xi32, #tpu.memory_space<vmem>>)
      tpu.yield
    }) : () -> ()
    %barrier3A = arith.constant 0 : index
    tpu.barrier barrier_id(%barrier3A)
    %dma_start3A = arith.constant 0 : i32
    %dma_start3A_36 = arith.constant 0 : i32
    %dma_start3A_37 = tpu.memref_slice %arg4[%dma_start3A, %dma_start3A_36] : memref<80x128xi32, #tpu.memory_space<vmem>> -> memref<1x128xi32, #tpu.memory_space<vmem>>
    %dma_start3A_38 = tpu.memref_squeeze %dma_start3A_37 : memref<1x128xi32, #tpu.memory_space<vmem>> -> memref<128xi32, #tpu.memory_space<vmem>>
    %dma_start3A_39 = arith.constant 0 : i32
    %dma_start3A_40 = arith.constant 0 : i32
    %dma_start3A_41 = tpu.memref_slice %arg7[%dma_start3A_39, %dma_start3A_40] : memref<10016x128xf32, #tpu.memory_space<vmem_shared>> -> memref<10016x128xf32, #tpu.memory_space<vmem_shared>>
    tpu.enqueue_indirect_dma source(%arg5 : memref<128x128xf32, #tpu.memory_space<vmem>>) target(%dma_start3A_41 : memref<10016x128xf32, #tpu.memory_space<vmem_shared>>) offsets(%dma_start3A_38 : memref<128xi32, #tpu.memory_space<vmem>>) semaphore(%arg8 : memref<!tpu.dma_semaphore, #tpu.memory_space<semaphore_mem>>) {add = true}
    %dma_start3A_42 = arith.constant 1 : i32
    %dma_start3A_43 = arith.constant 0 : i32
    %dma_start3A_44 = tpu.memref_slice %arg4[%dma_start3A_42, %dma_start3A_43] : memref<80x128xi32, #tpu.memory_space<vmem>> -> memref<1x128xi32, #tpu.memory_space<vmem>>
    %dma_start3A_45 = tpu.memref_squeeze %dma_start3A_44 : memref<1x128xi32, #tpu.memory_space<vmem>> -> memref<128xi32, #tpu.memory_space<vmem>>
    %dma_start3A_46 = arith.constant 0 : i32
    %dma_start3A_47 = arith.constant 0 : i32
    %dma_start3A_48 = tpu.memref_slice %arg7[%dma_start3A_46, %dma_start3A_47] : memref<10016x128xf32, #tpu.memory_space<vmem_shared>> -> memref<10016x128xf32, #tpu.memory_space<vmem_shared>>
    tpu.enqueue_indirect_dma source(%arg5 : memref<128x128xf32, #tpu.memory_space<vmem>>) target(%dma_start3A_48 : memref<10016x128xf32, #tpu.memory_space<vmem_shared>>) offsets(%dma_start3A_45 : memref<128xi32, #tpu.memory_space<vmem>>) semaphore(%arg8 : memref<!tpu.dma_semaphore, #tpu.memory_space<semaphore_mem>>) {add = true}
    %dma_start3A_49 = arith.constant 2 : i32
    %dma_start3A_50 = arith.constant 0 : i32
    %dma_start3A_51 = tpu.memref_slice %arg4[%dma_start3A_49, %dma_start3A_50] : memref<80x128xi32, #tpu.memory_space<vmem>> -> memref<1x128xi32, #tpu.memory_space<vmem>>
    %dma_start3A_52 = tpu.memref_squeeze %dma_start3A_51 : memref<1x128xi32, #tpu.memory_space<vmem>> -> memref<128xi32, #tpu.memory_space<vmem>>
    %dma_start3A_53 = arith.constant 0 : i32
    %dma_start3A_54 = arith.constant 0 : i32
    %dma_start3A_55 = tpu.memref_slice %arg7[%dma_start3A_53, %dma_start3A_54] : memref<10016x128xf32, #tpu.memory_space<vmem_shared>> -> memref<10016x128xf32, #tpu.memory_space<vmem_shared>>
    tpu.enqueue_indirect_dma source(%arg5 : memref<128x128xf32, #tpu.memory_space<vmem>>) target(%dma_start3A_55 : memref<10016x128xf32, #tpu.memory_space<vmem_shared>>) offsets(%dma_start3A_52 : memref<128xi32, #tpu.memory_space<vmem>>) semaphore(%arg8 : memref<!tpu.dma_semaphore, #tpu.memory_space<semaphore_mem>>) {add = true}
    %dma_start3A_56 = arith.constant 3 : i32
    %dma_start3A_57 = arith.constant 0 : i32
    %dma_start3A_58 = tpu.memref_slice %arg4[%dma_start3A_56, %dma_start3A_57] : memref<80x128xi32, #tpu.memory_space<vmem>> -> memref<1x128xi32, #tpu.memory_space<vmem>>
    %dma_start3A_59 = tpu.memref_squeeze %dma_start3A_58 : memref<1x128xi32, #tpu.memory_space<vmem>> -> memref<128xi32, #tpu.memory_space<vmem>>
    %dma_start3A_60 = arith.constant 0 : i32
    %dma_start3A_61 = arith.constant 0 : i32
    %dma_start3A_62 = tpu.memref_slice %arg7[%dma_start3A_60, %dma_start3A_61] : memref<10016x128xf32, #tpu.memory_space<vmem_shared>> -> memref<10016x128xf32, #tpu.memory_space<vmem_shared>>
    tpu.enqueue_indirect_dma source(%arg5 : memref<128x128xf32, #tpu.memory_space<vmem>>) target(%dma_start3A_62 : memref<10016x128xf32, #tpu.memory_space<vmem_shared>>) offsets(%dma_start3A_59 : memref<128xi32, #tpu.memory_space<vmem>>) semaphore(%arg8 : memref<!tpu.dma_semaphore, #tpu.memory_space<semaphore_mem>>) {add = true}
    %dma_start3A_63 = arith.constant 4 : i32
    %dma_start3A_64 = arith.constant 0 : i32
    %dma_start3A_65 = tpu.memref_slice %arg4[%dma_start3A_63, %dma_start3A_64] : memref<80x128xi32, #tpu.memory_space<vmem>> -> memref<1x128xi32, #tpu.memory_space<vmem>>
    %dma_start3A_66 = tpu.memref_squeeze %dma_start3A_65 : memref<1x128xi32, #tpu.memory_space<vmem>> -> memref<128xi32, #tpu.memory_space<vmem>>
    %dma_start3A_67 = arith.constant 0 : i32
    %dma_start3A_68 = arith.constant 0 : i32
    %dma_start3A_69 = tpu.memref_slice %arg7[%dma_start3A_67, %dma_start3A_68] : memref<10016x128xf32, #tpu.memory_space<vmem_shared>> -> memref<10016x128xf32, #tpu.memory_space<vmem_shared>>
    tpu.enqueue_indirect_dma source(%arg5 : memref<128x128xf32, #tpu.memory_space<vmem>>) target(%dma_start3A_69 : memref<10016x128xf32, #tpu.memory_space<vmem_shared>>) offsets(%dma_start3A_66 : memref<128xi32, #tpu.memory_space<vmem>>) semaphore(%arg8 : memref<!tpu.dma_semaphore, #tpu.memory_space<semaphore_mem>>) {add = true}
    %dma_start3A_70 = arith.constant 5 : i32
    %dma_start3A_71 = arith.constant 0 : i32
    %dma_start3A_72 = tpu.memref_slice %arg4[%dma_start3A_70, %dma_start3A_71] : memref<80x128xi32, #tpu.memory_space<vmem>> -> memref<1x128xi32, #tpu.memory_space<vmem>>
    %dma_start3A_73 = tpu.memref_squeeze %dma_start3A_72 : memref<1x128xi32, #tpu.memory_space<vmem>> -> memref<128xi32, #tpu.memory_space<vmem>>
    %dma_start3A_74 = arith.constant 0 : i32
    %dma_start3A_75 = arith.constant 0 : i32
    %dma_start3A_76 = tpu.memref_slice %arg7[%dma_start3A_74, %dma_start3A_75] : memref<10016x128xf32, #tpu.memory_space<vmem_shared>> -> memref<10016x128xf32, #tpu.memory_space<vmem_shared>>
    tpu.enqueue_indirect_dma source(%arg5 : memref<128x128xf32, #tpu.memory_space<vmem>>) target(%dma_start3A_76 : memref<10016x128xf32, #tpu.memory_space<vmem_shared>>) offsets(%dma_start3A_73 : memref<128xi32, #tpu.memory_space<vmem>>) semaphore(%arg8 : memref<!tpu.dma_semaphore, #tpu.memory_space<semaphore_mem>>) {add = true}
    %dma_start3A_77 = arith.constant 6 : i32
    %dma_start3A_78 = arith.constant 0 : i32
    %dma_start3A_79 = tpu.memref_slice %arg4[%dma_start3A_77, %dma_start3A_78] : memref<80x128xi32, #tpu.memory_space<vmem>> -> memref<1x128xi32, #tpu.memory_space<vmem>>
    %dma_start3A_80 = tpu.memref_squeeze %dma_start3A_79 : memref<1x128xi32, #tpu.memory_space<vmem>> -> memref<128xi32, #tpu.memory_space<vmem>>
    %dma_start3A_81 = arith.constant 0 : i32
    %dma_start3A_82 = arith.constant 0 : i32
    %dma_start3A_83 = tpu.memref_slice %arg7[%dma_start3A_81, %dma_start3A_82] : memref<10016x128xf32, #tpu.memory_space<vmem_shared>> -> memref<10016x128xf32, #tpu.memory_space<vmem_shared>>
    tpu.enqueue_indirect_dma source(%arg5 : memref<128x128xf32, #tpu.memory_space<vmem>>) target(%dma_start3A_83 : memref<10016x128xf32, #tpu.memory_space<vmem_shared>>) offsets(%dma_start3A_80 : memref<128xi32, #tpu.memory_space<vmem>>) semaphore(%arg8 : memref<!tpu.dma_semaphore, #tpu.memory_space<semaphore_mem>>) {add = true}
    %dma_start3A_84 = arith.constant 7 : i32
    %dma_start3A_85 = arith.constant 0 : i32
    %dma_start3A_86 = tpu.memref_slice %arg4[%dma_start3A_84, %dma_start3A_85] : memref<80x128xi32, #tpu.memory_space<vmem>> -> memref<1x128xi32, #tpu.memory_space<vmem>>
    %dma_start3A_87 = tpu.memref_squeeze %dma_start3A_86 : memref<1x128xi32, #tpu.memory_space<vmem>> -> memref<128xi32, #tpu.memory_space<vmem>>
    %dma_start3A_88 = arith.constant 0 : i32
    %dma_start3A_89 = arith.constant 0 : i32
    %dma_start3A_90 = tpu.memref_slice %arg7[%dma_start3A_88, %dma_start3A_89] : memref<10016x128xf32, #tpu.memory_space<vmem_shared>> -> memref<10016x128xf32, #tpu.memory_space<vmem_shared>>
    tpu.enqueue_indirect_dma source(%arg5 : memref<128x128xf32, #tpu.memory_space<vmem>>) target(%dma_start3A_90 : memref<10016x128xf32, #tpu.memory_space<vmem_shared>>) offsets(%dma_start3A_87 : memref<128xi32, #tpu.memory_space<vmem>>) semaphore(%arg8 : memref<!tpu.dma_semaphore, #tpu.memory_space<semaphore_mem>>) {add = true}
    %scan3A_91 = arith.constant 0 : i32
    %scan3A_92 = arith.constant 8 : i32
    %scan3A_93 = arith.constant 71 : i32
    %scan3A_94 = arith.addi %scan3A_92, %scan3A_93 : i32
    %scan3A_95 = arith.constant 1 : i32
    %scan3A_96 = scf.for %scan3A_156 = %scan3A_92 to %scan3A_94 step %scan3A_95 iter_args(%scan3A_157 = %scan3A_91) -> (i32)  : i32 {
      %sub3A = arith.constant 8 : i32
      %sub3A_158 = arith.subi %scan3A_156, %sub3A : i32
      %dma_wait3A_159 = arith.constant 0 : i32
      %dma_wait3A_160 = tpu.memref_slice %arg4[%sub3A_158, %dma_wait3A_159] : memref<80x128xi32, #tpu.memory_space<vmem>> -> memref<1x128xi32, #tpu.memory_space<vmem>>
      %dma_wait3A_161 = tpu.memref_squeeze %dma_wait3A_160 : memref<1x128xi32, #tpu.memory_space<vmem>> -> memref<128xi32, #tpu.memory_space<vmem>>
      %dma_wait3A_162 = arith.constant 0 : i32
      %dma_wait3A_163 = arith.constant 0 : i32
      %dma_wait3A_164 = tpu.memref_slice %arg7[%dma_wait3A_162, %dma_wait3A_163] : memref<10016x128xf32, #tpu.memory_space<vmem_shared>> -> memref<10016x128xf32, #tpu.memory_space<vmem_shared>>
      tpu.wait_indirect_dma semaphore(%arg8 : memref<!tpu.dma_semaphore, #tpu.memory_space<semaphore_mem>>) src(%arg5 : memref<128x128xf32, #tpu.memory_space<vmem>>) dst(%dma_wait3A_164 : memref<10016x128xf32, #tpu.memory_space<vmem_shared>>)
      %dma_start3A_165 = arith.constant 0 : i32
      %dma_start3A_166 = tpu.memref_slice %arg4[%scan3A_156, %dma_start3A_165] : memref<80x128xi32, #tpu.memory_space<vmem>> -> memref<1x128xi32, #tpu.memory_space<vmem>>
      %dma_start3A_167 = tpu.memref_squeeze %dma_start3A_166 : memref<1x128xi32, #tpu.memory_space<vmem>> -> memref<128xi32, #tpu.memory_space<vmem>>
      %dma_start3A_168 = arith.constant 0 : i32
      %dma_start3A_169 = arith.constant 0 : i32
      %dma_start3A_170 = tpu.memref_slice %arg7[%dma_start3A_168, %dma_start3A_169] : memref<10016x128xf32, #tpu.memory_space<vmem_shared>> -> memref<10016x128xf32, #tpu.memory_space<vmem_shared>>
      tpu.enqueue_indirect_dma source(%arg5 : memref<128x128xf32, #tpu.memory_space<vmem>>) target(%dma_start3A_170 : memref<10016x128xf32, #tpu.memory_space<vmem_shared>>) offsets(%dma_start3A_167 : memref<128xi32, #tpu.memory_space<vmem>>) semaphore(%arg8 : memref<!tpu.dma_semaphore, #tpu.memory_space<semaphore_mem>>) {add = true}
      %scan3A_171 = arith.constant 0 : i32
      scf.yield %scan3A_171 : i32
    }
    %scan3A_97 = arith.constant 71 : i32
    %dma_wait3A = arith.constant 71 : i32
    %dma_wait3A_98 = arith.constant 0 : i32
    %dma_wait3A_99 = tpu.memref_slice %arg4[%dma_wait3A, %dma_wait3A_98] : memref<80x128xi32, #tpu.memory_space<vmem>> -> memref<1x128xi32, #tpu.memory_space<vmem>>
    %dma_wait3A_100 = tpu.memref_squeeze %dma_wait3A_99 : memref<1x128xi32, #tpu.memory_space<vmem>> -> memref<128xi32, #tpu.memory_space<vmem>>
    %dma_wait3A_101 = arith.constant 0 : i32
    %dma_wait3A_102 = arith.constant 0 : i32
    %dma_wait3A_103 = tpu.memref_slice %arg7[%dma_wait3A_101, %dma_wait3A_102] : memref<10016x128xf32, #tpu.memory_space<vmem_shared>> -> memref<10016x128xf32, #tpu.memory_space<vmem_shared>>
    tpu.wait_indirect_dma semaphore(%arg8 : memref<!tpu.dma_semaphore, #tpu.memory_space<semaphore_mem>>) src(%arg5 : memref<128x128xf32, #tpu.memory_space<vmem>>) dst(%dma_wait3A_103 : memref<10016x128xf32, #tpu.memory_space<vmem_shared>>)
    %dma_wait3A_104 = arith.constant 72 : i32
    %dma_wait3A_105 = arith.constant 0 : i32
    %dma_wait3A_106 = tpu.memref_slice %arg4[%dma_wait3A_104, %dma_wait3A_105] : memref<80x128xi32, #tpu.memory_space<vmem>> -> memref<1x128xi32, #tpu.memory_space<vmem>>
    %dma_wait3A_107 = tpu.memref_squeeze %dma_wait3A_106 : memref<1x128xi32, #tpu.memory_space<vmem>> -> memref<128xi32, #tpu.memory_space<vmem>>
    %dma_wait3A_108 = arith.constant 0 : i32
    %dma_wait3A_109 = arith.constant 0 : i32
    %dma_wait3A_110 = tpu.memref_slice %arg7[%dma_wait3A_108, %dma_wait3A_109] : memref<10016x128xf32, #tpu.memory_space<vmem_shared>> -> memref<10016x128xf32, #tpu.memory_space<vmem_shared>>
    tpu.wait_indirect_dma semaphore(%arg8 : memref<!tpu.dma_semaphore, #tpu.memory_space<semaphore_mem>>) src(%arg5 : memref<128x128xf32, #tpu.memory_space<vmem>>) dst(%dma_wait3A_110 : memref<10016x128xf32, #tpu.memory_space<vmem_shared>>)
    %dma_wait3A_111 = arith.constant 73 : i32
    %dma_wait3A_112 = arith.constant 0 : i32
    %dma_wait3A_113 = tpu.memref_slice %arg4[%dma_wait3A_111, %dma_wait3A_112] : memref<80x128xi32, #tpu.memory_space<vmem>> -> memref<1x128xi32, #tpu.memory_space<vmem>>
    %dma_wait3A_114 = tpu.memref_squeeze %dma_wait3A_113 : memref<1x128xi32, #tpu.memory_space<vmem>> -> memref<128xi32, #tpu.memory_space<vmem>>
    %dma_wait3A_115 = arith.constant 0 : i32
    %dma_wait3A_116 = arith.constant 0 : i32
    %dma_wait3A_117 = tpu.memref_slice %arg7[%dma_wait3A_115, %dma_wait3A_116] : memref<10016x128xf32, #tpu.memory_space<vmem_shared>> -> memref<10016x128xf32, #tpu.memory_space<vmem_shared>>
    tpu.wait_indirect_dma semaphore(%arg8 : memref<!tpu.dma_semaphore, #tpu.memory_space<semaphore_mem>>) src(%arg5 : memref<128x128xf32, #tpu.memory_space<vmem>>) dst(%dma_wait3A_117 : memref<10016x128xf32, #tpu.memory_space<vmem_shared>>)
    %dma_wait3A_118 = arith.constant 74 : i32
    %dma_wait3A_119 = arith.constant 0 : i32
    %dma_wait3A_120 = tpu.memref_slice %arg4[%dma_wait3A_118, %dma_wait3A_119] : memref<80x128xi32, #tpu.memory_space<vmem>> -> memref<1x128xi32, #tpu.memory_space<vmem>>
    %dma_wait3A_121 = tpu.memref_squeeze %dma_wait3A_120 : memref<1x128xi32, #tpu.memory_space<vmem>> -> memref<128xi32, #tpu.memory_space<vmem>>
    %dma_wait3A_122 = arith.constant 0 : i32
    %dma_wait3A_123 = arith.constant 0 : i32
    %dma_wait3A_124 = tpu.memref_slice %arg7[%dma_wait3A_122, %dma_wait3A_123] : memref<10016x128xf32, #tpu.memory_space<vmem_shared>> -> memref<10016x128xf32, #tpu.memory_space<vmem_shared>>
    tpu.wait_indirect_dma semaphore(%arg8 : memref<!tpu.dma_semaphore, #tpu.memory_space<semaphore_mem>>) src(%arg5 : memref<128x128xf32, #tpu.memory_space<vmem>>) dst(%dma_wait3A_124 : memref<10016x128xf32, #tpu.memory_space<vmem_shared>>)
    %dma_wait3A_125 = arith.constant 75 : i32
    %dma_wait3A_126 = arith.constant 0 : i32
    %dma_wait3A_127 = tpu.memref_slice %arg4[%dma_wait3A_125, %dma_wait3A_126] : memref<80x128xi32, #tpu.memory_space<vmem>> -> memref<1x128xi32, #tpu.memory_space<vmem>>
    %dma_wait3A_128 = tpu.memref_squeeze %dma_wait3A_127 : memref<1x128xi32, #tpu.memory_space<vmem>> -> memref<128xi32, #tpu.memory_space<vmem>>
    %dma_wait3A_129 = arith.constant 0 : i32
    %dma_wait3A_130 = arith.constant 0 : i32
    %dma_wait3A_131 = tpu.memref_slice %arg7[%dma_wait3A_129, %dma_wait3A_130] : memref<10016x128xf32, #tpu.memory_space<vmem_shared>> -> memref<10016x128xf32, #tpu.memory_space<vmem_shared>>
    tpu.wait_indirect_dma semaphore(%arg8 : memref<!tpu.dma_semaphore, #tpu.memory_space<semaphore_mem>>) src(%arg5 : memref<128x128xf32, #tpu.memory_space<vmem>>) dst(%dma_wait3A_131 : memref<10016x128xf32, #tpu.memory_space<vmem_shared>>)
    %dma_wait3A_132 = arith.constant 76 : i32
    %dma_wait3A_133 = arith.constant 0 : i32
    %dma_wait3A_134 = tpu.memref_slice %arg4[%dma_wait3A_132, %dma_wait3A_133] : memref<80x128xi32, #tpu.memory_space<vmem>> -> memref<1x128xi32, #tpu.memory_space<vmem>>
    %dma_wait3A_135 = tpu.memref_squeeze %dma_wait3A_134 : memref<1x128xi32, #tpu.memory_space<vmem>> -> memref<128xi32, #tpu.memory_space<vmem>>
    %dma_wait3A_136 = arith.constant 0 : i32
    %dma_wait3A_137 = arith.constant 0 : i32
    %dma_wait3A_138 = tpu.memref_slice %arg7[%dma_wait3A_136, %dma_wait3A_137] : memref<10016x128xf32, #tpu.memory_space<vmem_shared>> -> memref<10016x128xf32, #tpu.memory_space<vmem_shared>>
    tpu.wait_indirect_dma semaphore(%arg8 : memref<!tpu.dma_semaphore, #tpu.memory_space<semaphore_mem>>) src(%arg5 : memref<128x128xf32, #tpu.memory_space<vmem>>) dst(%dma_wait3A_138 : memref<10016x128xf32, #tpu.memory_space<vmem_shared>>)
    %dma_wait3A_139 = arith.constant 77 : i32
    %dma_wait3A_140 = arith.constant 0 : i32
    %dma_wait3A_141 = tpu.memref_slice %arg4[%dma_wait3A_139, %dma_wait3A_140] : memref<80x128xi32, #tpu.memory_space<vmem>> -> memref<1x128xi32, #tpu.memory_space<vmem>>
    %dma_wait3A_142 = tpu.memref_squeeze %dma_wait3A_141 : memref<1x128xi32, #tpu.memory_space<vmem>> -> memref<128xi32, #tpu.memory_space<vmem>>
    %dma_wait3A_143 = arith.constant 0 : i32
    %dma_wait3A_144 = arith.constant 0 : i32
    %dma_wait3A_145 = tpu.memref_slice %arg7[%dma_wait3A_143, %dma_wait3A_144] : memref<10016x128xf32, #tpu.memory_space<vmem_shared>> -> memref<10016x128xf32, #tpu.memory_space<vmem_shared>>
    tpu.wait_indirect_dma semaphore(%arg8 : memref<!tpu.dma_semaphore, #tpu.memory_space<semaphore_mem>>) src(%arg5 : memref<128x128xf32, #tpu.memory_space<vmem>>) dst(%dma_wait3A_145 : memref<10016x128xf32, #tpu.memory_space<vmem_shared>>)
    %dma_wait3A_146 = arith.constant 78 : i32
    %dma_wait3A_147 = arith.constant 0 : i32
    %dma_wait3A_148 = tpu.memref_slice %arg4[%dma_wait3A_146, %dma_wait3A_147] : memref<80x128xi32, #tpu.memory_space<vmem>> -> memref<1x128xi32, #tpu.memory_space<vmem>>
    %dma_wait3A_149 = tpu.memref_squeeze %dma_wait3A_148 : memref<1x128xi32, #tpu.memory_space<vmem>> -> memref<128xi32, #tpu.memory_space<vmem>>
    %dma_wait3A_150 = arith.constant 0 : i32
    %dma_wait3A_151 = arith.constant 0 : i32
    %dma_wait3A_152 = tpu.memref_slice %arg7[%dma_wait3A_150, %dma_wait3A_151] : memref<10016x128xf32, #tpu.memory_space<vmem_shared>> -> memref<10016x128xf32, #tpu.memory_space<vmem_shared>>
    tpu.wait_indirect_dma semaphore(%arg8 : memref<!tpu.dma_semaphore, #tpu.memory_space<semaphore_mem>>) src(%arg5 : memref<128x128xf32, #tpu.memory_space<vmem>>) dst(%dma_wait3A_152 : memref<10016x128xf32, #tpu.memory_space<vmem_shared>>)
    %barrier3A_153 = arith.constant 0 : index
    tpu.barrier barrier_id(%barrier3A_153)
    %mul3A_154 = arith.constant 625 : i32
    %mul3A_155 = arith.muli %arg1, %mul3A_154 : i32
    "tpu.region"() ({
      %run_scoped3A = tpu.sem_alloc : memref<!tpu.dma_semaphore, #tpu.memory_space<semaphore_mem>>
      %dma_start3A_156 = arith.constant 0 : i32
      %dma_start3A_157 = arith.constant 0 : i32
      %dma_start3A_158 = tpu.memref_slice %arg3[%add3A, %dma_start3A_156, %dma_start3A_157] : memref<32x625x128xf32, #tpu.memory_space<hbm>> -> memref<1x625x128xf32, #tpu.memory_space<hbm>>
      %dma_start3A_159 = tpu.memref_squeeze %dma_start3A_158 : memref<1x625x128xf32, #tpu.memory_space<hbm>> -> memref<625x128xf32, #tpu.memory_space<hbm>>
      %dma_start3A_160 = arith.constant 0 : i32
      %dma_start3A_161 = tpu.memref_slice %arg7[%mul3A_155, %dma_start3A_160] : memref<10016x128xf32, #tpu.memory_space<vmem_shared>> -> memref<625x128xf32, #tpu.memory_space<vmem_shared>>
      tpu.enqueue_dma source(%dma_start3A_161 : memref<625x128xf32, #tpu.memory_space<vmem_shared>>) target(%dma_start3A_159 : memref<625x128xf32, #tpu.memory_space<hbm>>) target_semaphore(%run_scoped3A : memref<!tpu.dma_semaphore, #tpu.memory_space<semaphore_mem>>)
      %dma_wait3A_162 = arith.constant 0 : i32
      %dma_wait3A_163 = arith.constant 0 : i32
      %dma_wait3A_164 = tpu.memref_slice %arg3[%add3A, %dma_wait3A_162, %dma_wait3A_163] : memref<32x625x128xf32, #tpu.memory_space<hbm>> -> memref<1x625x128xf32, #tpu.memory_space<hbm>>
      %dma_wait3A_165 = tpu.memref_squeeze %dma_wait3A_164 : memref<1x625x128xf32, #tpu.memory_space<hbm>> -> memref<625x128xf32, #tpu.memory_space<hbm>>
      %dma_wait3A_166 = arith.constant 0 : i32
      %dma_wait3A_167 = tpu.memref_slice %arg7[%mul3A_155, %dma_wait3A_166] : memref<10016x128xf32, #tpu.memory_space<vmem_shared>> -> memref<625x128xf32, #tpu.memory_space<vmem_shared>>
      tpu.wait_dma2 semaphore(%run_scoped3A : memref<!tpu.dma_semaphore, #tpu.memory_space<semaphore_mem>>) src(%dma_wait3A_167 : memref<625x128xf32, #tpu.memory_space<vmem_shared>>) dst(%dma_wait3A_165 : memref<625x128xf32, #tpu.memory_space<hbm>>)
      tpu.yield
    }) : () -> ()
    return
  }
}

module attributes {stable_mosaic.version = 14 : i64} {
  func.func @_mm1_body(%arg0: i32, %arg1: memref<1000x128xf32, #tpu.memory_space<vmem>>, %arg2: memref<1000x128xf32, #tpu.memory_space<vmem>>, %arg3: memref<128x128xf32, #tpu.memory_space<vmem>>, %arg4: memref<128x128xf32, #tpu.memory_space<vmem>>, %arg5: memref<1000x128xf32, #tpu.memory_space<vmem>>) attributes {dimension_semantics = [#tpu.dimension_semantics<arbitrary>], iteration_bounds = array<i64: 10>, scalar_prefetch = 0 : i64, scratch_operands = 0 : i64, tpu.core_type = #tpu.core_type<tc>, window_params = [{transform_indices = @transform_0, window_bounds = array<i64: 1000, 128>}, {transform_indices = @transform_1, window_bounds = array<i64: 1000, 128>}, {pipeline_mode = #tpu.pipeline_mode<synchronous>, transform_indices = @transform_2, window_bounds = array<i64: 128, 128>}, {pipeline_mode = #tpu.pipeline_mode<synchronous>, transform_indices = @transform_3, window_bounds = array<i64: 128, 128>}, {transform_indices = @transform_4, window_bounds = array<i64: 1000, 128>}]} {
    %get3A = arith.constant 0 : index
    %get3A_0 = arith.constant 0 : index
    %get3A_1 = vector.load %arg1[%get3A, %get3A_0] : memref<1000x128xf32, #tpu.memory_space<vmem>>, vector<1000x128xf32>
    %get3A_2 = arith.constant 0 : index
    %get3A_3 = arith.constant 0 : index
    %get3A_4 = vector.load %arg3[%get3A_2, %get3A_3] : memref<128x128xf32, #tpu.memory_space<vmem>>, vector<128x128xf32>
    %dot_general3A = arith.constant dense<0.000000e+00> : vector<1000x128xf32>
    %dot_general3A_5 = tpu.matmul %get3A_1, %get3A_4, %dot_general3A {dimension_numbers = #tpu.dot_dimension_numbers<[1], [0], [0], [1], [0, 0, 1, 1], [], []>, precision = #tpu.contract_precision<fp32>, transpose_lhs_hint = false} : vector<1000x128xf32>, vector<128x128xf32>, vector<1000x128xf32> -> vector<1000x128xf32>
    %get3A_6 = arith.constant 0 : index
    %get3A_7 = arith.constant 0 : index
    %get3A_8 = vector.load %arg2[%get3A_6, %get3A_7] : memref<1000x128xf32, #tpu.memory_space<vmem>>, vector<1000x128xf32>
    %get3A_9 = arith.constant 0 : index
    %get3A_10 = arith.constant 0 : index
    %get3A_11 = vector.load %arg4[%get3A_9, %get3A_10] : memref<128x128xf32, #tpu.memory_space<vmem>>, vector<128x128xf32>
    %dot_general3A_12 = arith.constant dense<0.000000e+00> : vector<1000x128xf32>
    %dot_general3A_13 = tpu.matmul %get3A_8, %get3A_11, %dot_general3A_12 {dimension_numbers = #tpu.dot_dimension_numbers<[1], [0], [0], [1], [0, 0, 1, 1], [], []>, precision = #tpu.contract_precision<fp32>, transpose_lhs_hint = false} : vector<1000x128xf32>, vector<128x128xf32>, vector<1000x128xf32> -> vector<1000x128xf32>
    %add3A = arith.addf %dot_general3A_5, %dot_general3A_13 : vector<1000x128xf32>
    %swap3A = arith.constant 0 : index
    %swap3A_14 = arith.constant 0 : index
    %swap3A_15 = vector.load %arg5[%swap3A, %swap3A_14] : memref<1000x128xf32, #tpu.memory_space<vmem>>, vector<1000x128xf32>
    tpu.vector_store %arg5[%swap3A, %swap3A_14], %add3A {strides = array<i32>} : memref<1000x128xf32, #tpu.memory_space<vmem>>, vector<1000x128xf32>,
    return
  }
  func.func @transform_0(%arg0: i32) -> (i32, i32) {
    %c0_i32 = arith.constant 0 : i32
    %c0_i32_0 = arith.constant 0 : i32
    return %arg0, %c0_i32 : i32, i32
  }
  func.func @transform_1(%arg0: i32) -> (i32, i32) {
    %c0_i32 = arith.constant 0 : i32
    %c0_i32_0 = arith.constant 0 : i32
    return %arg0, %c0_i32 : i32, i32
  }
  func.func @transform_2(%arg0: i32) -> (i32, i32) {
    %c0_i32 = arith.constant 0 : i32
    %c0_i32_0 = arith.constant 0 : i32
    %c0_i32_1 = arith.constant 0 : i32
    return %c0_i32, %c0_i32_0 : i32, i32
  }
  func.func @transform_3(%arg0: i32) -> (i32, i32) {
    %c0_i32 = arith.constant 0 : i32
    %c0_i32_0 = arith.constant 0 : i32
    %c0_i32_1 = arith.constant 0 : i32
    return %c0_i32, %c0_i32_0 : i32, i32
  }
  func.func @transform_4(%arg0: i32) -> (i32, i32) {
    %c0_i32 = arith.constant 0 : i32
    %c0_i32_0 = arith.constant 0 : i32
    return %arg0, %c0_i32 : i32, i32
  }
}

module attributes {stable_mosaic.version = 14 : i64} {
  func.func @_scale_body(%arg0: i32, %arg1: memref<1000x128xf32, #tpu.memory_space<vmem>>, %arg2: memref<1000x128xf32, #tpu.memory_space<vmem>>, %arg3: memref<1000x128xf32, #tpu.memory_space<vmem>>, %arg4: memref<1000x128xf32, #tpu.memory_space<vmem>>, %arg5: memref<1000x1xf32, #tpu.memory_space<vmem>>) attributes {dimension_semantics = [#tpu.dimension_semantics<arbitrary>], iteration_bounds = array<i64: 10>, scalar_prefetch = 0 : i64, scratch_operands = 0 : i64, tpu.core_type = #tpu.core_type<tc>, window_params = [{transform_indices = @transform_0, window_bounds = array<i64: 1000, 128>}, {transform_indices = @transform_1, window_bounds = array<i64: 1000, 128>}, {transform_indices = @transform_2, window_bounds = array<i64: 1000, 128>}, {transform_indices = @transform_3, window_bounds = array<i64: 1000, 128>}, {transform_indices = @transform_4, window_bounds = array<i64: 1000, 1>}]} {
    %get3A = arith.constant 0 : index
    %get3A_0 = arith.constant 0 : index
    %get3A_1 = vector.load %arg1[%get3A, %get3A_0] : memref<1000x128xf32, #tpu.memory_space<vmem>>, vector<1000x1xf32>
    %get3A_2 = arith.constant 0 : index
    %get3A_3 = arith.constant 0 : index
    %get3A_4 = vector.load %arg2[%get3A_2, %get3A_3] : memref<1000x128xf32, #tpu.memory_space<vmem>>, vector<1000x1xf32>
    %add3A = arith.addf %get3A_1, %get3A_4 : vector<1000x1xf32>
    %add3A_5 = arith.constant 1.000000e+00 : f32
    %add3A_6 = vector.broadcast %add3A_5 : f32 to vector<1000x1xf32>
    %add3A_7 = arith.addf %add3A, %add3A_6 : vector<1000x1xf32>
    %rsqrt3A = math.rsqrt %add3A_7 : vector<1000x1xf32>
    %get3A_8 = arith.constant 0 : index
    %get3A_9 = arith.constant 0 : index
    %get3A_10 = vector.load %arg3[%get3A_8, %get3A_9] : memref<1000x128xf32, #tpu.memory_space<vmem>>, vector<1000x128xf32>
    %mul3A = vector.broadcast %rsqrt3A : vector<1000x1xf32> to vector<1000x128xf32>
    %mul3A_11 = arith.mulf %mul3A, %get3A_10 : vector<1000x128xf32>
    %swap3A = arith.constant 0 : index
    %swap3A_12 = arith.constant 0 : index
    %swap3A_13 = vector.load %arg4[%swap3A, %swap3A_12] : memref<1000x128xf32, #tpu.memory_space<vmem>>, vector<1000x128xf32>
    tpu.vector_store %arg4[%swap3A, %swap3A_12], %mul3A_11 {strides = array<i32>} : memref<1000x128xf32, #tpu.memory_space<vmem>>, vector<1000x128xf32>,
    %swap3A_14 = arith.constant 0 : index
    %swap3A_15 = arith.constant 0 : index
    %swap3A_16 = vector.load %arg5[%swap3A_14, %swap3A_15] : memref<1000x1xf32, #tpu.memory_space<vmem>>, vector<1000x1xf32>
    tpu.vector_store %arg5[%swap3A_14, %swap3A_15], %rsqrt3A {strides = array<i32>} : memref<1000x1xf32, #tpu.memory_space<vmem>>, vector<1000x1xf32>,
    return
  }
  func.func @transform_0(%arg0: i32) -> (i32, i32) {
    %c0_i32 = arith.constant 0 : i32
    %c0_i32_0 = arith.constant 0 : i32
    return %arg0, %c0_i32 : i32, i32
  }
  func.func @transform_1(%arg0: i32) -> (i32, i32) {
    %c0_i32 = arith.constant 0 : i32
    %c0_i32_0 = arith.constant 0 : i32
    return %arg0, %c0_i32 : i32, i32
  }
  func.func @transform_2(%arg0: i32) -> (i32, i32) {
    %c0_i32 = arith.constant 0 : i32
    %c0_i32_0 = arith.constant 0 : i32
    return %arg0, %c0_i32 : i32, i32
  }
  func.func @transform_3(%arg0: i32) -> (i32, i32) {
    %c0_i32 = arith.constant 0 : i32
    %c0_i32_0 = arith.constant 0 : i32
    return %arg0, %c0_i32 : i32, i32
  }
  func.func @transform_4(%arg0: i32) -> (i32, i32) {
    %c0_i32 = arith.constant 0 : i32
    %c0_i32_0 = arith.constant 0 : i32
    return %arg0, %c0_i32 : i32, i32
  }
}

module attributes {stable_mosaic.version = 14 : i64} {
  func.func @_final_body(%arg0: i32, %arg1: memref<1000x128xf32, #tpu.memory_space<vmem>>, %arg2: memref<1000x128xf32, #tpu.memory_space<vmem>>, %arg3: memref<1000x128xf32, #tpu.memory_space<vmem>>, %arg4: memref<1000x1xf32, #tpu.memory_space<vmem>>, %arg5: memref<1000x128xf32, #tpu.memory_space<vmem>>, %arg6: memref<128x384xf32, #tpu.memory_space<vmem>>, %arg7: memref<128x384xf32, #tpu.memory_space<vmem>>, %arg8: memref<1x384xf32, #tpu.memory_space<vmem>>, %arg9: memref<1x384xf32, #tpu.memory_space<vmem>>, %arg10: memref<1x128xf32, #tpu.memory_space<vmem>>, %arg11: memref<1000x128xf32, #tpu.memory_space<vmem>>, %arg12: memref<1000x128xf32, #tpu.memory_space<vmem>>) attributes {dimension_semantics = [#tpu.dimension_semantics<arbitrary>], iteration_bounds = array<i64: 10>, scalar_prefetch = 0 : i64, scratch_operands = 0 : i64, tpu.core_type = #tpu.core_type<tc>, window_params = [{transform_indices = @transform_0, window_bounds = array<i64: 1000, 128>}, {transform_indices = @transform_1, window_bounds = array<i64: 1000, 128>}, {transform_indices = @transform_2, window_bounds = array<i64: 1000, 128>}, {transform_indices = @transform_3, window_bounds = array<i64: 1000, 1>}, {transform_indices = @transform_4, window_bounds = array<i64: 1000, 128>}, {pipeline_mode = #tpu.pipeline_mode<synchronous>, transform_indices = @transform_5, window_bounds = array<i64: 128, 384>}, {pipeline_mode = #tpu.pipeline_mode<synchronous>, transform_indices = @transform_6, window_bounds = array<i64: 128, 384>}, {pipeline_mode = #tpu.pipeline_mode<synchronous>, transform_indices = @transform_7, window_bounds = array<i64: 1, 384>}, {pipeline_mode = #tpu.pipeline_mode<synchronous>, transform_indices = @transform_8, window_bounds = array<i64: 1, 384>}, {pipeline_mode = #tpu.pipeline_mode<synchronous>, transform_indices = @transform_9, window_bounds = array<i64: 1, 128>}, {transform_indices = @transform_10, window_bounds = array<i64: 1000, 128>}, {transform_indices = @transform_11, window_bounds = array<i64: 1000, 128>}]} {
    %get3A = arith.constant 0 : index
    %get3A_0 = arith.constant 0 : index
    %get3A_1 = vector.load %arg4[%get3A, %get3A_0] : memref<1000x1xf32, #tpu.memory_space<vmem>>, vector<1000x1xf32>
    %get3A_2 = arith.constant 0 : index
    %get3A_3 = arith.constant 0 : index
    %get3A_4 = vector.load %arg1[%get3A_2, %get3A_3] : memref<1000x128xf32, #tpu.memory_space<vmem>>, vector<1000x128xf32>
    %get3A_5 = arith.constant 0 : index
    %get3A_6 = arith.constant 0 : index
    %get3A_7 = vector.load %arg2[%get3A_5, %get3A_6] : memref<1000x128xf32, #tpu.memory_space<vmem>>, vector<1000x128xf32>
    %add3A = arith.addf %get3A_4, %get3A_7 : vector<1000x128xf32>
    %get3A_8 = arith.constant 0 : index
    %get3A_9 = arith.constant 0 : index
    %get3A_10 = vector.load %arg3[%get3A_8, %get3A_9] : memref<1000x128xf32, #tpu.memory_space<vmem>>, vector<1000x128xf32>
    %add3A_11 = arith.addf %add3A, %get3A_10 : vector<1000x128xf32>
    %mul3A = vector.broadcast %get3A_1 : vector<1000x1xf32> to vector<1000x128xf32>
    %mul3A_12 = arith.mulf %mul3A, %add3A_11 : vector<1000x128xf32>
    %get3A_13 = arith.constant 0 : index
    %get3A_14 = arith.constant 0 : index
    %get3A_15 = vector.load %arg10[%get3A_13, %get3A_14] : memref<1x128xf32, #tpu.memory_space<vmem>>, vector<1x128xf32>
    %add3A_16 = vector.broadcast %get3A_15 : vector<1x128xf32> to vector<1000x128xf32>
    %add3A_17 = arith.addf %mul3A_12, %add3A_16 : vector<1000x128xf32>
    %swap3A = arith.constant 0 : index
    %swap3A_18 = arith.constant 0 : index
    %swap3A_19 = vector.load %arg12[%swap3A, %swap3A_18] : memref<1000x128xf32, #tpu.memory_space<vmem>>, vector<1000x128xf32>
    tpu.vector_store %arg12[%swap3A, %swap3A_18], %add3A_17 {strides = array<i32>} : memref<1000x128xf32, #tpu.memory_space<vmem>>, vector<1000x128xf32>,
    %get3A_20 = arith.constant 0 : index
    %get3A_21 = arith.constant 0 : index
    %get3A_22 = vector.load %arg6[%get3A_20, %get3A_21] : memref<128x384xf32, #tpu.memory_space<vmem>>, vector<128x384xf32>
    %dot_general3A = arith.constant dense<0.000000e+00> : vector<1000x384xf32>
    %dot_general3A_23 = tpu.matmul %add3A_17, %get3A_22, %dot_general3A {dimension_numbers = #tpu.dot_dimension_numbers<[1], [0], [0], [1], [0, 0, 1, 1], [], []>, precision = #tpu.contract_precision<fp32>, transpose_lhs_hint = false} : vector<1000x128xf32>, vector<128x384xf32>, vector<1000x384xf32> -> vector<1000x384xf32>
    %get3A_24 = arith.constant 0 : index
    %get3A_25 = arith.constant 0 : index
    %get3A_26 = vector.load %arg8[%get3A_24, %get3A_25] : memref<1x384xf32, #tpu.memory_space<vmem>>, vector<1x384xf32>
    %add3A_27 = vector.broadcast %get3A_26 : vector<1x384xf32> to vector<1000x384xf32>
    %add3A_28 = arith.addf %dot_general3A_23, %add3A_27 : vector<1000x384xf32>
    %get3A_29 = arith.constant 0 : index
    %get3A_30 = arith.constant 0 : index
    %get3A_31 = vector.load %arg5[%get3A_29, %get3A_30] : memref<1000x128xf32, #tpu.memory_space<vmem>>, vector<1000x128xf32>
    %get3A_32 = arith.constant 0 : index
    %get3A_33 = arith.constant 0 : index
    %get3A_34 = vector.load %arg7[%get3A_32, %get3A_33] : memref<128x384xf32, #tpu.memory_space<vmem>>, vector<128x384xf32>
    %dot_general3A_35 = arith.constant dense<0.000000e+00> : vector<1000x384xf32>
    %dot_general3A_36 = tpu.matmul %get3A_31, %get3A_34, %dot_general3A_35 {dimension_numbers = #tpu.dot_dimension_numbers<[1], [0], [0], [1], [0, 0, 1, 1], [], []>, precision = #tpu.contract_precision<fp32>, transpose_lhs_hint = false} : vector<1000x128xf32>, vector<128x384xf32>, vector<1000x384xf32> -> vector<1000x384xf32>
    %get3A_37 = arith.constant 0 : index
    %get3A_38 = arith.constant 0 : index
    %get3A_39 = vector.load %arg9[%get3A_37, %get3A_38] : memref<1x384xf32, #tpu.memory_space<vmem>>, vector<1x384xf32>
    %add3A_40 = vector.broadcast %get3A_39 : vector<1x384xf32> to vector<1000x384xf32>
    %add3A_41 = arith.addf %dot_general3A_36, %add3A_40 : vector<1000x384xf32>
    %slice3A = vector.extract_strided_slice %add3A_28 {offsets = [0, 0], sizes = [1000, 128], strides = [1, 1]} : vector<1000x384xf32> to vector<1000x128xf32>
    %slice3A_42 = vector.extract_strided_slice %add3A_41 {offsets = [0, 0], sizes = [1000, 128], strides = [1, 1]} : vector<1000x384xf32> to vector<1000x128xf32>
    %add3A_43 = arith.addf %slice3A, %slice3A_42 : vector<1000x128xf32>
    %logistic3A = arith.negf %add3A_43 : vector<1000x128xf32>
    %logistic3A_44 = math.exp %logistic3A : vector<1000x128xf32>
    %logistic3A_45 = arith.constant 1.000000e+00 : f32
    %logistic3A_46 = vector.broadcast %logistic3A_45 : f32 to vector<1000x128xf32>
    %logistic3A_47 = arith.addf %logistic3A_46, %logistic3A_44 : vector<1000x128xf32>
    %logistic3A_48 = arith.divf %logistic3A_46, %logistic3A_47 : vector<1000x128xf32>
    %slice3A_49 = vector.extract_strided_slice %add3A_28 {offsets = [0, 128], sizes = [1000, 128], strides = [1, 1]} : vector<1000x384xf32> to vector<1000x128xf32>
    %slice3A_50 = vector.extract_strided_slice %add3A_41 {offsets = [0, 128], sizes = [1000, 128], strides = [1, 1]} : vector<1000x384xf32> to vector<1000x128xf32>
    %add3A_51 = arith.addf %slice3A_49, %slice3A_50 : vector<1000x128xf32>
    %logistic3A_52 = arith.negf %add3A_51 : vector<1000x128xf32>
    %logistic3A_53 = math.exp %logistic3A_52 : vector<1000x128xf32>
    %logistic3A_54 = arith.constant 1.000000e+00 : f32
    %logistic3A_55 = vector.broadcast %logistic3A_54 : f32 to vector<1000x128xf32>
    %logistic3A_56 = arith.addf %logistic3A_55, %logistic3A_53 : vector<1000x128xf32>
    %logistic3A_57 = arith.divf %logistic3A_55, %logistic3A_56 : vector<1000x128xf32>
    %slice3A_58 = vector.extract_strided_slice %add3A_28 {offsets = [0, 256], sizes = [1000, 128], strides = [1, 1]} : vector<1000x384xf32> to vector<1000x128xf32>
    %slice3A_59 = vector.extract_strided_slice %add3A_41 {offsets = [0, 256], sizes = [1000, 128], strides = [1, 1]} : vector<1000x384xf32> to vector<1000x128xf32>
    %mul3A_60 = arith.mulf %logistic3A_48, %slice3A_59 : vector<1000x128xf32>
    %add3A_61 = arith.addf %slice3A_58, %mul3A_60 : vector<1000x128xf32>
    %tanh3A = math.tanh %add3A_61 : vector<1000x128xf32>
    %sub3A = arith.constant 1.000000e+00 : f32
    %sub3A_62 = vector.broadcast %sub3A : f32 to vector<1000x128xf32>
    %sub3A_63 = arith.subf %sub3A_62, %logistic3A_57 : vector<1000x128xf32>
    %mul3A_64 = arith.mulf %sub3A_63, %tanh3A : vector<1000x128xf32>
    %get3A_65 = arith.constant 0 : index
    %get3A_66 = arith.constant 0 : index
    %get3A_67 = vector.load %arg5[%get3A_65, %get3A_66] : memref<1000x128xf32, #tpu.memory_space<vmem>>, vector<1000x128xf32>
    %mul3A_68 = arith.mulf %logistic3A_57, %get3A_67 : vector<1000x128xf32>
    %add3A_69 = arith.addf %mul3A_64, %mul3A_68 : vector<1000x128xf32>
    %swap3A_70 = arith.constant 0 : index
    %swap3A_71 = arith.constant 0 : index
    %swap3A_72 = vector.load %arg11[%swap3A_70, %swap3A_71] : memref<1000x128xf32, #tpu.memory_space<vmem>>, vector<1000x128xf32>
    tpu.vector_store %arg11[%swap3A_70, %swap3A_71], %add3A_69 {strides = array<i32>} : memref<1000x128xf32, #tpu.memory_space<vmem>>, vector<1000x128xf32>,
    return
  }
  func.func @transform_0(%arg0: i32) -> (i32, i32) {
    %c0_i32 = arith.constant 0 : i32
    %c0_i32_0 = arith.constant 0 : i32
    return %arg0, %c0_i32 : i32, i32
  }
  func.func @transform_1(%arg0: i32) -> (i32, i32) {
    %c0_i32 = arith.constant 0 : i32
    %c0_i32_0 = arith.constant 0 : i32
    return %arg0, %c0_i32 : i32, i32
  }
  func.func @transform_2(%arg0: i32) -> (i32, i32) {
    %c0_i32 = arith.constant 0 : i32
    %c0_i32_0 = arith.constant 0 : i32
    return %arg0, %c0_i32 : i32, i32
  }
  func.func @transform_3(%arg0: i32) -> (i32, i32) {
    %c0_i32 = arith.constant 0 : i32
    %c0_i32_0 = arith.constant 0 : i32
    return %arg0, %c0_i32 : i32, i32
  }
  func.func @transform_4(%arg0: i32) -> (i32, i32) {
    %c0_i32 = arith.constant 0 : i32
    %c0_i32_0 = arith.constant 0 : i32
    return %arg0, %c0_i32 : i32, i32
  }
  func.func @transform_5(%arg0: i32) -> (i32, i32) {
    %c0_i32 = arith.constant 0 : i32
    %c0_i32_0 = arith.constant 0 : i32
    %c0_i32_1 = arith.constant 0 : i32
    return %c0_i32, %c0_i32_0 : i32, i32
  }
  func.func @transform_6(%arg0: i32) -> (i32, i32) {
    %c0_i32 = arith.constant 0 : i32
    %c0_i32_0 = arith.constant 0 : i32
    %c0_i32_1 = arith.constant 0 : i32
    return %c0_i32, %c0_i32_0 : i32, i32
  }
  func.func @transform_7(%arg0: i32) -> (i32, i32) {
    %c0_i32 = arith.constant 0 : i32
    %c0_i32_0 = arith.constant 0 : i32
    %c0_i32_1 = arith.constant 0 : i32
    return %c0_i32, %c0_i32_0 : i32, i32
  }
  func.func @transform_8(%arg0: i32) -> (i32, i32) {
    %c0_i32 = arith.constant 0 : i32
    %c0_i32_0 = arith.constant 0 : i32
    %c0_i32_1 = arith.constant 0 : i32
    return %c0_i32, %c0_i32_0 : i32, i32
  }
  func.func @transform_9(%arg0: i32) -> (i32, i32) {
    %c0_i32 = arith.constant 0 : i32
    %c0_i32_0 = arith.constant 0 : i32
    %c0_i32_1 = arith.constant 0 : i32
    return %c0_i32, %c0_i32_0 : i32, i32
  }
  func.func @transform_10(%arg0: i32) -> (i32, i32) {
    %c0_i32 = arith.constant 0 : i32
    %c0_i32_0 = arith.constant 0 : i32
    return %arg0, %c0_i32 : i32, i32
  }
  func.func @transform_11(%arg0: i32) -> (i32, i32) {
    %c0_i32 = arith.constant 0 : i32
    %c0_i32_0 = arith.constant 0 : i32
    return %arg0, %c0_i32 : i32, i32
  }
}

</mosaic_0001>

<sc_bundles>
// kernel: kernel.10.cloned.1.call-start
scs
__scs_entry_jumppad:
0x0: {  	(pc) =	sbr.rel $0x88, $3  }
0x1: {  	(tag) =	ssettag $0x0;
	lr =	simm.s32 $0x1  }
0x2: {  	[smem:$0x3F98] =	sst lr;
	_ =	strace $0xD0000000  }
0x3: {  	_ = 	snop  }
0x4: {  	_ = 	snop  }
0x5: {  	_ = 	snop  }
0x6: {  	_ = 	snop  }
0x7: {  	_ = 	snop  }
__scs_overlays_trampoline_lowered:
0x8: {  	[smem:$0x3FA7] =	sst s0  }
0x9: {  	[smem:$0x3FA8] =	sst s1  }
0xa: {  	[smem:$0x3FA9] =	sst s2  }
0xb: {  	[smem:$0x3FAA] =	sst s3  }
0xc: {  	[smem:$0x3FAB] =	sst s4  }
0xd: {  	[smem:$0x3FAC] =	sst s5  }
0xe: {  	[smem:$0x3FAD] =	sst s6  }
0xf: {  	[smem:$0x3FAE] =	sst s7  }
0x10: {  	[smem:$0x3FAF] =	sst s8  }
0x11: {  	[smem:$0x3FB0] =	sst s9;
	s0 =	simm.s32 @!p0 $0x0  }
0x12: {  	s1 =	sld [smem:$0x3F96];
	s0 =	simm.s32 @p0 $0x1  }
0x13: {  	[smem:$0x3FB1] =	sst s0;
	s0 =	simm.s32 @!p1 $0x0  }
0x14: {  	s2 =	sld [smem:$0x3F95];
	s0 =	simm.s32 @p1 $0x1  }
0x15: {  	[smem:$0x3FB2] =	sst s0;
	s0 =	simm.s32 @!p2 $0x0  }
0x16: {  	s3 =	sld [smem:$0x3FDB];
	s0 =	simm.s32 @p2 $0x1  }
0x17: {  	s4 =	simm.s32 $0x1BF5;
	[smem:$0x3FB4] =	sst s0  }
0x18: {  	s0 =	sld [smem:$0x3F97];
	_ =	swait.ge [sflag:s4], $0x0  }
0x19: {  	s7 =	sld [smem:$0x3F98]  }
0x1a: {  	s8 =	sadd.s32 $0xFFFFE003, lr  }
0x1b: {  	s9 =	sadd.s32 $0xFFFFFEF7, lr;
	s5 =	simm.s32 $0xFFFFFFFF;
	p2 =	slt.u32 s8, $0xFFFFF086  }
0x1c: {  	p1 =	slt.u32 s9, $0xF7A;
	s5 =	simm.s32 @!p2 $0x0  }
0x1d: {  	s5 =	simm.s32 @p1 $0x1;
	p0 =	seq.s32 s7, s2  }
0x1e: {  	s7 =	smul.u32 @!p0 $0xF7A, s2;
	p2 =	seq.s32 @!p0 s5, $0x0  }
0x1f: {  	s9 =	smul.u32 $0xF7A, s1;
	s8 =	simm.s32 @!p0 $0x1BF5;
	p2 =	por !p2, p0  }
0x20: {  	[sflag:s8] =	ssyncset.s32 @!p0 $0xFFFFF086;
	s6 =	sadd.s32 @!p0 s3, s7;
	s7 =	simm.s32 @!p0 $0x108  }
0x21: {  	s3 =	sadd.s32 s3, s9;
	s6 =	sadd.s32 @!p0 $0x88, s6;
	s7 =	simm.s32 @p2 $0x1082  }
0x22: {  	[simem:s7], [sflag:s8] =	dma.local @!p0 [hbm:s6], $0xF7A  }
0x23: {  	s9 =	sor.u32 $0xD0000000, s2;
	s6 =	simm.s32 $0x108;
	_ =	swait.ge @!p0 [sflag:s8], $0x0  }
0x24: {  	s3 =	sadd.s32 $0x88, s3;
	s6 =	simm.s32 @!p1 $0x1082;
	[sflag:s4] =	ssyncset.s32 $0xFFFFF086  }
0x25: {  	[simem:s6], [sflag:s4] =	dma.local [hbm:s3], $0xF7A  }
0x26: {  	[smem:$0x3F98] =	sst s1;
	(tag) =	ssettag s2;
	_ =	strace s9  }
0x27: {  	s1 =	sld [smem:$0x3FA8]  }
0x28: {  	s2 =	sld [smem:$0x3FA9]  }
0x29: {  	s4 =	sld [smem:$0x3FAB]  }
0x2a: {  	p0 =	seq.s32 s5, $0x0;
	s5 =	sld [smem:$0x3FAC]  }
0x2b: {  	s6 =	sld [smem:$0x3FAD]  }
0x2c: {  	s7 =	sld [smem:$0x3FAE]  }
0x2d: {  	s3 =	simm.s32 $0x108;
	s8 =	sld [smem:$0x3FAF]  }
0x2e: {  	s3 =	simm.s32 @!p0 $0x1082;
	s9 =	sld [smem:$0x3FB0]  }
0x2f: {  	lr =	sadd.s32 s0, s3;
	s0 =	sld [smem:$0x3FA7]  }
0x30: {  	s3 =	sld [smem:$0x3FAA]  }
0x31: {  	[smem:$0x3FB3] =	sst s10  }
0x32: {  	s10 =	sld [smem:$0x3FB1];
	_ =	sdelay $0x3  }
0x33: {  	p0 =	seq.s32 s10, $0x1;
	s10 =	sld [smem:$0x3FB3];
	_ =	sdelay $0x3  }
0x34: {  	[smem:$0x3FB3] =	sst s10  }
0x35: {  	s10 =	sld [smem:$0x3FB2];
	_ =	sdelay $0x3  }
0x36: {  	p1 =	seq.s32 s10, $0x1;
	s10 =	sld [smem:$0x3FB3];
	_ =	sdelay $0x3  }
0x37: {  	[smem:$0x3FB3] =	sst s10  }
0x38: {  	s10 =	sld [smem:$0x3FB4]  }
0x39: {  	_ = 	snop;
	(pc) =	sbr.ind lr, $3  }
0x3a: {  	_ = 	snop  }
0x3b: {  	_ = 	snop  }
0x3c: {  	p2 =	seq.s32 s10, $0x1;
	s10 =	sld [smem:$0x3FB3]  }
0x3d: {  	_ =	shalt  }
0x3e: {  	_ =	shalt  }
0x3f: {  	_ =	shalt  }
0x40: {  	_ =	shalt  }
0x41: {  	_ =	shalt  }
0x42: {  	_ =	shalt  }
0x43: {  	_ =	shalt  }
0x44: {  	_ =	shalt  }
0x45: {  	_ =	shalt  }
0x46: {  	_ =	shalt  }
0x47: {  	_ =	shalt  }
0x48: {  	_ =	shalt  }
0x49: {  	_ =	shalt  }
0x4a: {  	_ =	shalt  }
0x4b: {  	_ =	shalt  }
0x4c: {  	_ =	shalt  }
0x4d: {  	_ =	shalt  }
0x4e: {  	_ =	shalt  }
0x4f: {  	_ =	shalt  }
0x50: {  	_ =	shalt  }
0x51: {  	_ =	shalt  }
0x52: {  	_ =	shalt  }
0x53: {  	_ =	shalt  }
0x54: {  	_ =	shalt  }
0x55: {  	_ =	shalt  }
0x56: {  	_ =	shalt  }
0x57: {  	_ =	shalt  }
0x58: {  	_ =	shalt  }
0x59: {  	_ =	shalt  }
0x5a: {  	_ =	shalt  }
0x5b: {  	_ =	shalt  }
0x5c: {  	_ =	shalt  }
0x5d: {  	_ =	shalt  }
0x5e: {  	_ =	shalt  }
0x5f: {  	_ =	shalt  }
0x60: {  	_ =	shalt  }
0x61: {  	_ =	shalt  }
0x62: {  	_ =	shalt  }
0x63: {  	_ =	shalt  }
0x64: {  	_ =	shalt  }
0x65: {  	_ =	shalt  }
0x66: {  	_ =	shalt  }
0x67: {  	_ =	shalt  }
0x68: {  	_ =	shalt  }
0x69: {  	_ =	shalt  }
0x6a: {  	_ =	shalt  }
0x6b: {  	_ =	shalt  }
0x6c: {  	_ =	shalt  }
0x6d: {  	_ =	shalt  }
0x6e: {  	_ =	shalt  }
0x6f: {  	_ =	shalt  }
0x70: {  	_ =	shalt  }
0x71: {  	_ =	shalt  }
0x72: {  	_ =	shalt  }
0x73: {  	_ =	shalt  }
0x74: {  	_ =	shalt  }
0x75: {  	_ =	shalt  }
0x76: {  	_ =	shalt  }
0x77: {  	_ =	shalt  }
0x78: {  	_ =	shalt  }
0x79: {  	_ =	shalt  }
0x7a: {  	_ =	shalt  }
0x7b: {  	_ =	shalt  }
0x7c: {  	_ =	shalt  }
0x7d: {  	_ =	shalt  }
0x7e: {  	_ =	shalt  }
0x7f: {  	_ =	shalt  }
0x80: {  	_ =	shalt  }
0x81: {  	_ =	shalt  }
0x82: {  	_ =	shalt  }
0x83: {  	_ =	shalt  }
0x84: {  	_ =	shalt  }
0x85: {  	_ =	shalt  }
0x86: {  	_ =	shalt  }
0x87: {  	_ =	shalt  }
.Lfunc_end0:
.L_simem_size_0:
called_computation.1_lowered:
.L_overlay_start_0:
0x88: {  	s2 =	sld [smem:$0x3FD9]  }
0x89: {  	s3 =	sld [smem:$0x3FFE];
	_ =	sdelay $0x1  }
0x8a: {  	s1 =	srdreg.scid  }
0x8b: {  	s0 =	sand.u32 $0x1, s1  }
0x8c: {  	s14 =	sshll.u32 s0, $0xA;
	s2 =	sadd.s32 s3, s2  }
0x8d: {  	s2 =	sadd.s32 s2, s14  }
0x8e: {  	[smem:$0x3FBF] =	sst s2  }
0x8f: {  	_ = 	snop  }
0x90: {  	s2 =	sld [smem:$0x3FD0];
	_ =	sdelay $0x2  }
0x91: {  	s15 =	simm.s32 $0xA;
	s4 =	simm.s32 $0x10  }
0x92: {  	[smem:s4], [sflag:s15] =	dma.local [hbm:s2], $0x1  }
0x93: {  	_ =	swait.eq [sflag:s15], $0x1  }
0x94: {  	[sflag:s15] =	ssyncset.done $0x0  }
0x95: {  	s16 =	sld [smem:$0x10];
	[sflag:s15] =	ssyncadd.s32 $0xFFFFFFFF  }
0x96: {  	s17 =	sld [smem:$0x11];
	(tm) =	ssettm $0x1  }
0x97: {  	s18 =	sld [smem:$0x3FFB];
	_ =	sdelay $0x3  }
0x98: {  	_ =	strace s18  }
0x99: {  	s4 =	sld [smem:$0x3FFC];
	_ =	sdelay $0x3  }
0x9a: {  	_ =	strace s4  }
0x9b: {  	s4 =	sld [smem:$0x3FFD];
	_ =	sdelay $0x3  }
0x9c: {  	_ =	strace s4  }
0x9d: {  	_ =	strace $0x8FFFFFFF  }
0x9e: {  	s19 =	sld [smem:$0x3FDB];
	_ =	sdelay $0x1  }
0x9f: {  	s5 =	simm.s32 $_scs_section_size  }
0xa0: {  	s6 =	simm.s32 $_size__tile_overlayer_lowered;
	s7 =	simm.s32 $_tile_overlayer_lowered  }
0xa1: {  	s22 =	simm.s32 $0x1BFF;
	s21 =	sshll.u32 s7, $0x1;
	s4 =	sadd.s32 s5, s19  }
0xa2: {  	s8 =	simm.s32 $0x0;
	s20 =	sshll.u32 s6, $0x1;
	s6 =	sadd.s32 s21, s4  }
0xa3: {  	[timem:s8], [sflag:s22] =	dma.local [hbm:s6], s20  }
0xa4: {  	_ =	swait.ge [sflag:s22], s20  }
0xa5: {  	s5 =	ssub.s32 $0x0, s20;
	[sflag:s22] =	ssyncset.done $0x0  }
0xa6: {  	[sflag:s22] =	ssyncadd.s32 s5;
	_ =	sdelay $0x1  }
0xa7: {  	s23 =	simm.s32 $0x1B8B  }
0xa8: {  	_ =	swait.ge [sflag:s23], $0x1  }
0xa9: {  	[sflag:s23] =	ssyncset.done $0x0  }
0xaa: {  	s25 =	simm.s32 $0x1B8E;
	s24 =	sld [smem:$0x3FFE];
	[sflag:s23] =	ssyncadd.s32 $0xFFFFFFFF  }
0xab: {  	s26 =	simm.s32 $execute0_lowered;
	[smem:$0x3FD2] =	sst s25  }
0xac: {  	s6 =	sshll.u32 s26, $0x1;
	_ =	strace $0x80000049;
	[dreg:$0x1] =	wrdreg $0xFFFFFFFF  }
0xad: {  	s28 =	simm.s32 $_size_execute0_lowered;
	s4 =	sadd.s32 s4, s6;
	[dreg:$0x0] =	wrdreg $0x0  }
0xae: {  	s6 =	sshll.u32 s28, $0x1;
	[dreg:$0x2] =	wrdreg s4  }
0xaf: {  	[dreg:$0x3] =	wrdreg s6  }
0xb0: {  	[dreg:$0x4] =	wrdreg $0xC0  }
0xb1: {  	_ =	task [dreg:s8], $0x5FFFF  }
0xb2: {  	[dreg:$0x1] =	wrdreg $0xFFFFFFFF  }
0xb3: {  	[dreg:$0x0] =	wrdreg $0x60  }
0xb4: {  	[dreg:$0x2] =	wrdreg s17  }
0xb5: {  	[dreg:$0x3] =	wrdreg s24  }
0xb6: {  	[dreg:$0x4] =	wrdreg s16  }
0xb7: {  	[dreg:$0x5] =	wrdreg $0xA9000  }
0xb8: {  	[dreg:$0x6] =	wrdreg $0x9  }
0xb9: {  	_ =	task.clear_ibuf [dreg:s8], $0x7FFFF;
	_ =	strace $0x90000049  }
0xba: {  	s29 =	simm.s32 $0x9;
	_ =	strace $0x8000004B  }
0xbb: {  	_ =	swait.ge [sflag:s29], $0x1  }
0xbc: {  	[sflag:s29] =	ssyncadd.s32 $0xFFFFFFFF  }
0xbd: {  	_ =	strace $0x9000004B  }
0xbe: {  	_ =	sfence  }
0xbf: {  	s30 =	sld [smem:$0x0];
	_ =	sdelay $0x2  }
0xc0: {  	s31 =	sshll.u32 s1, $0xD;
	s1 =	sshrl.u32 s1, $0x2  }
0xc1: {  	s3 =	sand.u32 $0x4000, s31;
	s1 =	sadd.s32 s1, s30  }
0xc2: {  	s0 =	sor.u32 s3, s0;
	s1 =	sshll.u32 s1, $0x11  }
0xc3: {  	s0 =	sor.u32 s1, s0  }
0xc4: {  	s0 =	sadd.s32 $0x8F2B, s0  }
0xc5: {  	[sflag:s0] =	ssyncadd.remote.s32 $0x1  }
0xc6: {  	_ =	sfence.sel $0xFFFF  }
0xc7: {  	[dreg:$0x0] =	wrdreg $0xFFFFFFFF;
	(pc) =	sbr.abs _section_cstart, $3  }
0xc8: {  	[dreg:$0x1] =	wrdreg $0xFFFFFFFF  }
0xc9: {  	_ =	task.clear_ibuf [dreg:s8], $0x2FFFF;
	_ =	strace $0x9FFFFFFF  }
0xca: {  	(tm) =	ssettm $0x7FFFFFFF  }
0xcb: {  	_ =	shalt  }
tec
execute0_lowered:
.L_overlay_start_1:
0x0: {  	(tag) =	ssettag $0x1  }
0x1: {  	s0 =	rddreg [dreg:$0x0]  }
0x2: {  	s2 =	rddreg [dreg:$0x1]  }
0x3: {  	s1 =	srdreg.scid;
	s6 =	rddreg [dreg:$0x2]  }
0x4: {  	s12 =	stileid.u32;
	s3 =	rddreg [dreg:$0x3];
	s18 =	simm.s32 $0x2900  }
0x5: {  	s19 =	simm.s32 $0x7;
	s20 =	simm.s32 $0x2800;
	s21 =	simm.s32 $0x80  }
0x6: {  	s28 =	simm.s32 $0x3;
	s29 =	simm.s32 $0x5;
	s30 =	simm.s32 $0x4  }
0x7: {  	s1 =	sand.u32 $0x1, s1;
	s5 =	smul.u32 $0x4E200, s12;
	s17 =	sadd.s32 $0x52000, s2  }
0x8: {  	s13 =	smul.u32 $0x2780, s12;
	s4 =	sshll.u32 s1, $0x4;
	s9 =	ssub.s32 $0x2, s1  }
0x9: {  	s1 =	smul.u32 $0x27800, s1;
	s7 =	sor.u32 s12, s4;
	s4 =	simm.s32 $0x0  }
0xa: {  	s5 =	sshrl.u32 s5, $0x2;
	s10 =	sshrl.u32 s9, $0x1;
	s8 =	smul.u32 $0x2780, s7  }
0xb: {  	[smem:$0x7FF] =	sst s4;
	s5 =	sadd.s32 s5, s3;
	s11 =	smul.u32 $0x500, s7  }
0xc: {  	s15 =	ssub.s32 s9, s10;
	s1 =	sadd.s32 s13, s1;
	_ =	strace $0x8000004A  }
0xd: {  	s22 =	sadd.s32 $0x4000, s5;
	s23 =	sadd.s32 $0x8000, s5;
	s25 =	sadd.s32 $0xC000, s5  }
0xe: {  	s9 =	sadd.s32 $0x10000, s5;
	s26 =	sadd.s32 $0x200, s1;
	[dreg:$0x5] =	wrdreg s22  }
0xf: {  	s1 =	sadd.s32 $0x180, s1;
	s15 =	smax.u32 s15, $0x1;
	[dreg:$0x6] =	wrdreg s23  }
0x10: {  	s2 =	sadd.s32 s8, s2;
	s24 =	sshrl.u32 s8, $0x3;
	[dreg:$0x7] =	wrdreg s25  }
0x11: {  	s11 =	sadd.s32 s6, s11;
	s31 =	sshrl.u32 s26, $0x3;
	s1 =	sshrl.u32 s1, $0x3  }
0x12: {  	s22 =	simm.s32 $0x2880;
	s23 =	simm.s32 $0x1;
	s25 =	simm.s32 $0x6900  }
0x13: {  	s26 =	simm.s32 $0x2;
	s10 =	sadd.s32 s17, s24;
	s14 =	sadd.s32 $0x3000, s2  }
0x14: {  	s16 =	sadd.s32 s31, s17;
	s17 =	sadd.s32 s1, s17;
	s24 =	simm.s32 $0x6  }
0x15: {  	v0 =	vimm.f32 $0.0e+00;
	s1 =	simm.s32 $0x0;
	s12 =	sadd.s32 $0x10, s10;
	s13 =	sadd.s32 $0x20, s10  }
.LBB2_1:
0x16: {  	s2 =	simm.s32 $0x0;
	s6 =	simm.s32 $0x200  }
.LBB2_2:
0x17: {  	p0 =	sne.s32 s6, $0xFE00;
	[tilespmem:s2+$0x2970] =	vst v0  }
0x18: {  	[tilespmem:s2+$0x2900] =	vst v0  }
0x19: {  	[tilespmem:s2+$0x2910] =	vst v0  }
.Ltmp0:
0x1a: {  	[tilespmem:s2+$0x2920] =	vst v0;
	(pc) =	sbr.rel @p0 .LBB2_2-.Ltmp0, $4  }
0x1b: {  	[tilespmem:s2+$0x2930] =	vst v0  }
0x1c: {  	[tilespmem:s2+$0x2940] =	vst v0  }
0x1d: {  	[tilespmem:s2+$0x2950] =	vst v0  }
0x1e: {  	[tilespmem:s2+$0x2960] =	vst v0;
	s2 =	sshra.s32 s6, $0x2;
	s6 =	sadd.s32 $0x200, s6  }
0x1f: {  	[tilespmem:s2+$0x2970] =	vst v0  }
0x20: {  	[tilespmem:s2+$0x2900] =	vst v0  }
0x21: {  	[tilespmem:s2+$0x2910] =	vst v0  }
0x22: {  	[tilespmem:s2+$0x2920] =	vst v0  }
0x23: {  	[tilespmem:s2+$0x2930] =	vst v0  }
0x24: {  	[tilespmem:s2+$0x2940] =	vst v0  }
0x25: {  	[tilespmem:s2+$0x2950] =	vst v0  }
0x26: {  	[tilespmem:s2+$0x2960] =	vst v0  }
0x27: {  	[spmem:s5] =	stream.linear.scatter [tilespmem:s18], [sflag:$0x7], $0x4000, $0x38;
	[tilespmem:$0x1E200] =	vst v63  }
0x28: {  	_ =	swait.ge [sflag:s19], $0x4000  }
0x29: {  	[sflag:s19] =	ssyncset.done $0x0  }
0x2a: {  	s8 =	rddreg [dreg:$0x5];
	[sflag:s19] =	ssyncadd.s32 $0xFFFFC000  }
0x2b: {  	[spmem:s8] =	stream.linear.scatter [tilespmem:s18], [sflag:$0x7], $0x4000, $0x38;
	[tilespmem:$0x1E200] =	vst v63  }
0x2c: {  	_ =	swait.ge [sflag:s19], $0x4000  }
0x2d: {  	[sflag:s19] =	ssyncset.done $0x0  }
0x2e: {  	s6 =	rddreg [dreg:$0x6];
	[sflag:s19] =	ssyncadd.s32 $0xFFFFC000  }
0x2f: {  	[spmem:s6] =	stream.linear.scatter [tilespmem:s18], [sflag:$0x7], $0x4000, $0x38;
	[tilespmem:$0x1E200] =	vst v63  }
0x30: {  	_ =	swait.ge [sflag:s19], $0x4000  }
0x31: {  	[sflag:s19] =	ssyncset.done $0x0  }
0x32: {  	s7 =	rddreg [dreg:$0x7];
	[sflag:s19] =	ssyncadd.s32 $0xFFFFC000  }
0x33: {  	[spmem:s7] =	stream.linear.scatter [tilespmem:s18], [sflag:$0x7], $0x4000, $0x38;
	[tilespmem:$0x1E200] =	vst v63  }
0x34: {  	_ =	swait.ge [sflag:s19], $0x4000  }
0x35: {  	[sflag:s19] =	ssyncset.done $0x0  }
0x36: {  	[sflag:s19] =	ssyncadd.s32 $0xFFFFC000  }
0x37: {  	[spmem:s9] =	stream.linear.scatter [tilespmem:s18], [sflag:$0x7], $0x3880, $0x38;
	[tilespmem:$0x1E200] =	vst v63  }
0x38: {  	_ =	swait.ge [sflag:s19], $0x3880  }
0x39: {  	[sflag:s19] =	ssyncset.done $0x0  }
0x3a: {  	s8 =	simm.s32 $0x0;
	[sflag:s19] =	ssyncadd.s32 $0xFFFFC780  }
0x3b: {  	[tilespmem:s8], [sflag:$0x7] =	stream.linear.gather [hbm4b:s11+s8], $0x2800, $0x38;
	[tilespmem:$0x1E200] =	vst v63  }
0x3c: {  	_ =	swait.ge [sflag:s19], $0x2800  }
0x3d: {  	[sflag:s19] =	ssyncset.done $0x0  }
0x3e: {  	[sflag:s19] =	ssyncadd.s32 $0xFFFFD800  }
0x3f: {  	[bflag:$0x0] =	sbarrier.arrive $0xFFFF  }
0x40: {  	[tilespmem:s20], [sflag:$0x7] =	stream.linear.gather [hbm4b:s10+s8], $0x80, $0x38;
	[tilespmem:$0x1E200] =	vst v63  }
0x41: {  	_ =	swait.ge [sflag:s19], $0x80  }
0x42: {  	[sflag:s19] =	ssyncset.done $0x0  }
0x43: {  	[sflag:s19] =	ssyncadd.s32 $0xFFFFFF80  }
0x44: {  	[tilespmem:s18], [sflag:$0x1] =	stream.indirect.gather [hbm4b:s0+s21], $0x80, s20, s21, $0xb8;
	[tilespmem:$0x1E200] =	vst v63  }
0x45: {  	_ = 	snop  }
0x46: {  	[tilespmem:s22], [sflag:$0x6] =	stream.linear.gather [hbm4b:s12+s8], $0x80, $0x38;
	[tilespmem:$0x1E200] =	vst v63  }
0x47: {  	_ =	swait.ge [sflag:s23], $0x4000  }
0x48: {  	[sflag:s23] =	ssyncset.done $0x0  }
0x49: {  	[sflag:s23] =	ssyncadd.s32 $0xFFFFC000  }
0x4a: {  	_ =	swait.ge [sflag:s24], $0x80  }
0x4b: {  	[sflag:s24] =	ssyncset.done $0x0  }
0x4c: {  	[sflag:s24] =	ssyncadd.s32 $0xFFFFFF80  }
0x4d: {  	[tilespmem:s25], [sflag:$0x2] =	stream.indirect.gather [hbm4b:s0+s21], $0x80, s22, s21, $0xb8;
	[tilespmem:$0x1E200] =	vst v63  }
0x4e: {  	_ = 	snop  }
0x4f: {  	[tilespmem:s20], [sflag:$0x5] =	stream.linear.gather [hbm4b:s13+s8], $0x80, $0x38;
	[tilespmem:$0x1E200] =	vst v63  }
0x50: {  	_ = 	snop  }
0x51: {  	[spmem:s3] =	stream.indirect.scatter.add.f32 [tilespmem:s18], [sflag:$0x3], $0x80, s8, s21, $0xb8;
	[tilespmem:$0x1E200] =	vst v63  }
0x52: {  	_ =	swait.ge [sflag:s26], $0x4000  }
0x53: {  	[sflag:s26] =	ssyncset.done $0x0  }
0x54: {  	[sflag:s26] =	ssyncadd.s32 $0xFFFFC000  }
0x55: {  	_ =	swait.ge [sflag:s28], $0x4000  }
0x56: {  	[sflag:s28] =	ssyncset.done $0x0  }
0x57: {  	[sflag:s28] =	ssyncadd.s32 $0xFFFFC000  }
0x58: {  	_ =	swait.ge [sflag:s29], $0x80  }
0x59: {  	[sflag:s29] =	ssyncset.done $0x0  }
0x5a: {  	[sflag:s29] =	ssyncadd.s32 $0xFFFFFF80  }
0x5b: {  	[tilespmem:s18], [sflag:$0x1] =	stream.indirect.gather [hbm4b:s0+s21], $0x80, s20, s21, $0xb8;
	[tilespmem:$0x1E200] =	vst v63  }
0x5c: {  	s6 =	sadd.s32 $0x0, s17  }
0x5d: {  	[tilespmem:s22], [sflag:$0x6] =	stream.linear.gather [hbm4b:s6+s4], $0x80, $0x38;
	[tilespmem:$0x1E200] =	vst v63  }
0x5e: {  	s7 =	simm.s32 $0x80  }
0x5f: {  	[spmem:s3] =	stream.indirect.scatter.add.f32 [tilespmem:s25], [sflag:$0x4], $0x80, s7, s21, $0xb8;
	[tilespmem:$0x1E200] =	vst v63  }
0x60: {  	_ =	swait.ge [sflag:s23], $0x4000  }
0x61: {  	[sflag:s23] =	ssyncset.done $0x0  }
0x62: {  	[sflag:s23] =	ssyncadd.s32 $0xFFFFC000  }
0x63: {  	_ =	swait.ge [sflag:s30], $0x4000  }
0x64: {  	[sflag:s30] =	ssyncset.done $0x0  }
0x65: {  	[sflag:s30] =	ssyncadd.s32 $0xFFFFC000  }
0x66: {  	_ =	swait.ge [sflag:s24], $0x80  }
0x67: {  	[sflag:s24] =	ssyncset.done $0x0  }
0x68: {  	s31 =	simm.s32 $0x100;
	[sflag:s24] =	ssyncadd.s32 $0xFFFFFF80  }
0x69: {  	[tilespmem:s25], [sflag:$0x2] =	stream.indirect.gather [hbm4b:s0+s21], $0x80, s22, s21, $0xb8;
	[tilespmem:$0x1E200] =	vst v63  }
0x6a: {  	s2 =	simm.s32 $0x20;
	s8 =	sadd.s32 $0x0, s16;
	s6 =	simm.s32 $0x200  }
0x6b: {  	[tilespmem:s20], [sflag:$0x5] =	stream.linear.gather [hbm4b:s8+s4], $0x80, $0x38;
	[tilespmem:$0x1E200] =	vst v63  }
.LBB2_4:
0x6c: {  	[spmem:s3] =	stream.indirect.scatter.add.f32 [tilespmem:s18], [sflag:$0x3], $0x80, s31, s21, $0xb8;
	[tilespmem:$0x1E200] =	vst v63  }
0x6d: {  	s7 =	smov.u32 s2;
	s31 =	smov.u32 s6  }
0x6e: {  	p0 =	sne.s32 s2, $0x4A0;
	s2 =	sadd.s32 $0x20, s2;
	_ =	swait.ge [sflag:s26], $0x4000  }
0x6f: {  	[sflag:s26] =	ssyncset.done $0x0  }
0x70: {  	[sflag:s26] =	ssyncadd.s32 $0xFFFFC000  }
0x71: {  	_ =	swait.ge [sflag:s28], $0x4000  }
0x72: {  	[sflag:s28] =	ssyncset.done $0x0  }
0x73: {  	[sflag:s28] =	ssyncadd.s32 $0xFFFFC000  }
0x74: {  	_ =	swait.ge [sflag:s29], $0x80  }
0x75: {  	[sflag:s29] =	ssyncset.done $0x0  }
0x76: {  	[sflag:s29] =	ssyncadd.s32 $0xFFFFFF80  }
0x77: {  	[tilespmem:s18], [sflag:$0x1] =	stream.indirect.gather [hbm4b:s0+s21], $0x80, s20, s21, $0xb8;
	[tilespmem:$0x1E200] =	vst v63  }
0x78: {  	s8 =	sadd.s32 s7, s17  }
0x79: {  	[tilespmem:s22], [sflag:$0x6] =	stream.linear.gather [hbm4b:s8+s4], $0x80, $0x38;
	[tilespmem:$0x1E200] =	vst v63  }
0x7a: {  	s8 =	sadd.s32 $0xFFFFFF80, s6  }
0x7b: {  	[spmem:s3] =	stream.indirect.scatter.add.f32 [tilespmem:s25], [sflag:$0x4], $0x80, s8, s21, $0xb8;
	[tilespmem:$0x1E200] =	vst v63  }
0x7c: {  	_ =	swait.ge [sflag:s23], $0x4000  }
0x7d: {  	[sflag:s23] =	ssyncset.done $0x0  }
0x7e: {  	[sflag:s23] =	ssyncadd.s32 $0xFFFFC000  }
0x7f: {  	_ =	swait.ge [sflag:s30], $0x4000  }
0x80: {  	[sflag:s30] =	ssyncset.done $0x0  }
0x81: {  	[sflag:s30] =	ssyncadd.s32 $0xFFFFC000  }
0x82: {  	_ =	swait.ge [sflag:s24], $0x80  }
0x83: {  	[sflag:s24] =	ssyncset.done $0x0  }
.Ltmp1:
0x84: {  	[sflag:s24] =	ssyncadd.s32 $0xFFFFFF80;
	(pc) =	sbr.rel @p0 .LBB2_4-.Ltmp1, $4  }
0x85: {  	[tilespmem:s25], [sflag:$0x2] =	stream.indirect.gather [hbm4b:s0+s21], $0x80, s22, s21, $0xb8;
	[tilespmem:$0x1E200] =	vst v63  }
0x86: {  	s7 =	sadd.s32 s7, s16  }
0x87: {  	[tilespmem:s20], [sflag:$0x5] =	stream.linear.gather [hbm4b:s7+s4], $0x80, $0x38;
	[tilespmem:$0x1E200] =	vst v63  }
0x88: {  	s6 =	sadd.s32 $0x100, s6  }
0x89: {  	[spmem:s3] =	stream.indirect.scatter.add.f32 [tilespmem:s18], [sflag:$0x3], $0x80, s31, s21, $0xb8;
	[tilespmem:$0x1E200] =	vst v63  }
0x8a: {  	_ =	swait.ge [sflag:s26], $0x4000  }
0x8b: {  	[sflag:s26] =	ssyncset.done $0x0  }
0x8c: {  	[sflag:s26] =	ssyncadd.s32 $0xFFFFC000  }
0x8d: {  	_ =	swait.ge [sflag:s28], $0x4000  }
0x8e: {  	[sflag:s28] =	ssyncset.done $0x0  }
0x8f: {  	[sflag:s28] =	ssyncadd.s32 $0xFFFFC000  }
0x90: {  	_ =	swait.ge [sflag:s29], $0x80  }
0x91: {  	[sflag:s29] =	ssyncset.done $0x0  }
0x92: {  	[sflag:s29] =	ssyncadd.s32 $0xFFFFFF80  }
0x93: {  	[tilespmem:s18], [sflag:$0x1] =	stream.indirect.gather [hbm4b:s0+s21], $0x80, s20, s21, $0xb8;
	[tilespmem:$0x1E200] =	vst v63  }
0x94: {  	s2 =	simm.s32 $0x2680  }
0x95: {  	[spmem:s3] =	stream.indirect.scatter.add.f32 [tilespmem:s25], [sflag:$0x4], $0x80, s2, s21, $0xb8;
	[tilespmem:$0x1E200] =	vst v63  }
0x96: {  	_ =	swait.ge [sflag:s23], $0x4000  }
0x97: {  	[sflag:s23] =	ssyncset.done $0x0  }
0x98: {  	[sflag:s23] =	ssyncadd.s32 $0xFFFFC000  }
0x99: {  	_ =	swait.ge [sflag:s30], $0x4000  }
0x9a: {  	[sflag:s30] =	ssyncset.done $0x0  }
0x9b: {  	s8 =	simm.s32 $0x2700;
	[sflag:s30] =	ssyncadd.s32 $0xFFFFC000  }
0x9c: {  	[spmem:s3] =	stream.indirect.scatter.add.f32 [tilespmem:s18], [sflag:$0x3], $0x80, s8, s21, $0xb8;
	[tilespmem:$0x1E200] =	vst v63  }
0x9d: {  	s31 =	stileid.u32;
	_ =	swait.ge [sflag:s28], $0x4000  }
0x9e: {  	s6 =	sshrl.u32 s5, $0x3;
	s1 =	sadd.s32 $0x1, s1;
	[sflag:s28] =	ssyncset.done $0x0  }
0x9f: {  	p0 =	sne.s32 s1, s15;
	s2 =	sshll.u32 s31, $0x6;
	[sflag:s28] =	ssyncadd.s32 $0xFFFFC000  }
.Ltmp2:
0xa0: {  	s2 =	sor.u32 $0x1C07, s2;
	[bflag:$0x0] =	sbarrier.arrive $0xFFFF;
	(pc) =	sbr.rel @p0 .LBB2_1-.Ltmp2, $4  }
0xa1: {  	[hbm:s14], [sflag:s2] =	dma.local [spmem:s6], $0x2710  }
0xa2: {  	_ =	swait.ge [sflag:s19], $0x2710  }
0xa3: {  	[sflag:s19] =	ssyncset.done $0x0  }
0xa4: {  	[sflag:s19] =	ssyncadd.s32 $0xFFFFD8F0  }
0xa5: {  	_ =	sfence.sel $0x180000  }
0xa6: {  	[bflag:$0x0] =	sbarrier.arrive $0xFFFF  }
0xa7: {  	_ =	strace $0x9000004A  }
0xa8: {  	s0 =	stileid.u32;
	[bflag:$0x2] =	sbarrier.arrive $0xFFFF  }
0xa9: {  	p0 =	sne.s32 s0, $0x0;
	s0 =	rddreg [dreg:$0x4]  }
0xaa: {  	s0 =	sadd.s32 @!p0 $0x100000, s0  }
0xab: {  	[sflag:s0] =	ssyncadd.tile.s32 @!p0 $0x1;
	_ =	shalt  }
.Lfunc_end2:
_tile_overlayer_lowered:
.L_overlay_start_2:
0xac: {  	(tag) =	ssettag $0x2  }
0xad: {  	s0 =	rddreg [dreg:$0x0];
	s2 =	stileid.u32  }
0xae: {  	s1 =	rddreg [dreg:$0x1];
	p0 =	sne.s32 s2, $0x0  }
0xaf: {  	s3 =	rddreg [dreg:$0x2];
	[bflag:$0x3] =	sbarrier.arrive $0xFFFF;
	s2 =	simm.s32 @!p0 $0x1C07  }
0xb0: {  	[timem:s3], [sflag:s2] =	dma.local @!p0 [hbm:s0], s1  }
0xb1: {  	s0 =	simm.s32 @!p0 $0x7  }
0xb2: {  	_ =	swait.ge @!p0 [sflag:s0], s1  }
0xb3: {  	s1 =	ssub.s32 @!p0 $0x0, s1;
	[sflag:s0] =	ssyncset.done @!p0 $0x0  }
0xb4: {  	[sflag:s0] =	ssyncadd.s32 @!p0 s1  }
0xb5: {  	[bflag:$0x3] =	sbarrier.arrive $0xFFFF  }
0xb6: {  	_ =	shalt  }

// kernel: kernel.7.cloned.1.call-start
scs
__scs_entry_jumppad:
0x0: {  	(pc) =	sbr.rel $0x88, $3  }
0x1: {  	(tag) =	ssettag $0x0;
	lr =	simm.s32 $0x1  }
0x2: {  	[smem:$0x3F98] =	sst lr;
	_ =	strace $0xD0000000  }
0x3: {  	_ = 	snop  }
0x4: {  	_ = 	snop  }
0x5: {  	_ = 	snop  }
0x6: {  	_ = 	snop  }
0x7: {  	_ = 	snop  }
__scs_overlays_trampoline_lowered:
0x8: {  	[smem:$0x3FA7] =	sst s0  }
0x9: {  	[smem:$0x3FA8] =	sst s1  }
0xa: {  	[smem:$0x3FA9] =	sst s2  }
0xb: {  	[smem:$0x3FAA] =	sst s3  }
0xc: {  	[smem:$0x3FAB] =	sst s4  }
0xd: {  	[smem:$0x3FAC] =	sst s5  }
0xe: {  	[smem:$0x3FAD] =	sst s6  }
0xf: {  	[smem:$0x3FAE] =	sst s7  }
0x10: {  	[smem:$0x3FAF] =	sst s8  }
0x11: {  	[smem:$0x3FB0] =	sst s9;
	s0 =	simm.s32 @!p0 $0x0  }
0x12: {  	s1 =	sld [smem:$0x3F96];
	s0 =	simm.s32 @p0 $0x1  }
0x13: {  	[smem:$0x3FB1] =	sst s0;
	s0 =	simm.s32 @!p1 $0x0  }
0x14: {  	s2 =	sld [smem:$0x3F95];
	s0 =	simm.s32 @p1 $0x1  }
0x15: {  	[smem:$0x3FB2] =	sst s0;
	s0 =	simm.s32 @!p2 $0x0  }
0x16: {  	s3 =	sld [smem:$0x3FDB];
	s0 =	simm.s32 @p2 $0x1  }
0x17: {  	s4 =	simm.s32 $0x1BF5;
	[smem:$0x3FB4] =	sst s0  }
0x18: {  	s0 =	sld [smem:$0x3F97];
	_ =	swait.ge [sflag:s4], $0x0  }
0x19: {  	s7 =	sld [smem:$0x3F98]  }
0x1a: {  	s8 =	sadd.s32 $0xFFFFE003, lr  }
0x1b: {  	s9 =	sadd.s32 $0xFFFFFEF7, lr;
	s5 =	simm.s32 $0xFFFFFFFF;
	p2 =	slt.u32 s8, $0xFFFFF086  }
0x1c: {  	p1 =	slt.u32 s9, $0xF7A;
	s5 =	simm.s32 @!p2 $0x0  }
0x1d: {  	s5 =	simm.s32 @p1 $0x1;
	p0 =	seq.s32 s7, s2  }
0x1e: {  	s7 =	smul.u32 @!p0 $0xF7A, s2;
	p2 =	seq.s32 @!p0 s5, $0x0  }
0x1f: {  	s9 =	smul.u32 $0xF7A, s1;
	s8 =	simm.s32 @!p0 $0x1BF5;
	p2 =	por !p2, p0  }
0x20: {  	[sflag:s8] =	ssyncset.s32 @!p0 $0xFFFFF086;
	s6 =	sadd.s32 @!p0 s3, s7;
	s7 =	simm.s32 @!p0 $0x108  }
0x21: {  	s3 =	sadd.s32 s3, s9;
	s6 =	sadd.s32 @!p0 $0x88, s6;
	s7 =	simm.s32 @p2 $0x1082  }
0x22: {  	[simem:s7], [sflag:s8] =	dma.local @!p0 [hbm:s6], $0xF7A  }
0x23: {  	s9 =	sor.u32 $0xD0000000, s2;
	s6 =	simm.s32 $0x108;
	_ =	swait.ge @!p0 [sflag:s8], $0x0  }
0x24: {  	s3 =	sadd.s32 $0x88, s3;
	s6 =	simm.s32 @!p1 $0x1082;
	[sflag:s4] =	ssyncset.s32 $0xFFFFF086  }
0x25: {  	[simem:s6], [sflag:s4] =	dma.local [hbm:s3], $0xF7A  }
0x26: {  	[smem:$0x3F98] =	sst s1;
	(tag) =	ssettag s2;
	_ =	strace s9  }
0x27: {  	s1 =	sld [smem:$0x3FA8]  }
0x28: {  	s2 =	sld [smem:$0x3FA9]  }
0x29: {  	s4 =	sld [smem:$0x3FAB]  }
0x2a: {  	p0 =	seq.s32 s5, $0x0;
	s5 =	sld [smem:$0x3FAC]  }
0x2b: {  	s6 =	sld [smem:$0x3FAD]  }
0x2c: {  	s7 =	sld [smem:$0x3FAE]  }
0x2d: {  	s3 =	simm.s32 $0x108;
	s8 =	sld [smem:$0x3FAF]  }
0x2e: {  	s3 =	simm.s32 @!p0 $0x1082;
	s9 =	sld [smem:$0x3FB0]  }
0x2f: {  	lr =	sadd.s32 s0, s3;
	s0 =	sld [smem:$0x3FA7]  }
0x30: {  	s3 =	sld [smem:$0x3FAA]  }
0x31: {  	[smem:$0x3FB3] =	sst s10  }
0x32: {  	s10 =	sld [smem:$0x3FB1];
	_ =	sdelay $0x3  }
0x33: {  	p0 =	seq.s32 s10, $0x1;
	s10 =	sld [smem:$0x3FB3];
	_ =	sdelay $0x3  }
0x34: {  	[smem:$0x3FB3] =	sst s10  }
0x35: {  	s10 =	sld [smem:$0x3FB2];
	_ =	sdelay $0x3  }
0x36: {  	p1 =	seq.s32 s10, $0x1;
	s10 =	sld [smem:$0x3FB3];
	_ =	sdelay $0x3  }
0x37: {  	[smem:$0x3FB3] =	sst s10  }
0x38: {  	s10 =	sld [smem:$0x3FB4]  }
0x39: {  	_ = 	snop;
	(pc) =	sbr.ind lr, $3  }
0x3a: {  	_ = 	snop  }
0x3b: {  	_ = 	snop  }
0x3c: {  	p2 =	seq.s32 s10, $0x1;
	s10 =	sld [smem:$0x3FB3]  }
0x3d: {  	_ =	shalt  }
0x3e: {  	_ =	shalt  }
0x3f: {  	_ =	shalt  }
0x40: {  	_ =	shalt  }
0x41: {  	_ =	shalt  }
0x42: {  	_ =	shalt  }
0x43: {  	_ =	shalt  }
0x44: {  	_ =	shalt  }
0x45: {  	_ =	shalt  }
0x46: {  	_ =	shalt  }
0x47: {  	_ =	shalt  }
0x48: {  	_ =	shalt  }
0x49: {  	_ =	shalt  }
0x4a: {  	_ =	shalt  }
0x4b: {  	_ =	shalt  }
0x4c: {  	_ =	shalt  }
0x4d: {  	_ =	shalt  }
0x4e: {  	_ =	shalt  }
0x4f: {  	_ =	shalt  }
0x50: {  	_ =	shalt  }
0x51: {  	_ =	shalt  }
0x52: {  	_ =	shalt  }
0x53: {  	_ =	shalt  }
0x54: {  	_ =	shalt  }
0x55: {  	_ =	shalt  }
0x56: {  	_ =	shalt  }
0x57: {  	_ =	shalt  }
0x58: {  	_ =	shalt  }
0x59: {  	_ =	shalt  }
0x5a: {  	_ =	shalt  }
0x5b: {  	_ =	shalt  }
0x5c: {  	_ =	shalt  }
0x5d: {  	_ =	shalt  }
0x5e: {  	_ =	shalt  }
0x5f: {  	_ =	shalt  }
0x60: {  	_ =	shalt  }
0x61: {  	_ =	shalt  }
0x62: {  	_ =	shalt  }
0x63: {  	_ =	shalt  }
0x64: {  	_ =	shalt  }
0x65: {  	_ =	shalt  }
0x66: {  	_ =	shalt  }
0x67: {  	_ =	shalt  }
0x68: {  	_ =	shalt  }
0x69: {  	_ =	shalt  }
0x6a: {  	_ =	shalt  }
0x6b: {  	_ =	shalt  }
0x6c: {  	_ =	shalt  }
0x6d: {  	_ =	shalt  }
0x6e: {  	_ =	shalt  }
0x6f: {  	_ =	shalt  }
0x70: {  	_ =	shalt  }
0x71: {  	_ =	shalt  }
0x72: {  	_ =	shalt  }
0x73: {  	_ =	shalt  }
0x74: {  	_ =	shalt  }
0x75: {  	_ =	shalt  }
0x76: {  	_ =	shalt  }
0x77: {  	_ =	shalt  }
0x78: {  	_ =	shalt  }
0x79: {  	_ =	shalt  }
0x7a: {  	_ =	shalt  }
0x7b: {  	_ =	shalt  }
0x7c: {  	_ =	shalt  }
0x7d: {  	_ =	shalt  }
0x7e: {  	_ =	shalt  }
0x7f: {  	_ =	shalt  }
0x80: {  	_ =	shalt  }
0x81: {  	_ =	shalt  }
0x82: {  	_ =	shalt  }
0x83: {  	_ =	shalt  }
0x84: {  	_ =	shalt  }
0x85: {  	_ =	shalt  }
0x86: {  	_ =	shalt  }
0x87: {  	_ =	shalt  }
.Lfunc_end0:
.L_simem_size_0:
called_computation_lowered:
.L_overlay_start_0:
0x88: {  	s2 =	sld [smem:$0x3FD9]  }
0x89: {  	s3 =	sld [smem:$0x3FFE];
	_ =	sdelay $0x1  }
0x8a: {  	s1 =	srdreg.scid  }
0x8b: {  	s0 =	sand.u32 $0x1, s1  }
0x8c: {  	s14 =	sshll.u32 s0, $0xA;
	s2 =	sadd.s32 s3, s2  }
0x8d: {  	s2 =	sadd.s32 s2, s14  }
0x8e: {  	[smem:$0x3FBF] =	sst s2  }
0x8f: {  	_ = 	snop  }
0x90: {  	s2 =	sld [smem:$0x3FD0];
	_ =	sdelay $0x2  }
0x91: {  	s15 =	simm.s32 $0xA;
	s4 =	simm.s32 $0x10  }
0x92: {  	[smem:s4], [sflag:s15] =	dma.local [hbm:s2], $0x1  }
0x93: {  	_ =	swait.eq [sflag:s15], $0x1  }
0x94: {  	[sflag:s15] =	ssyncset.done $0x0  }
0x95: {  	[sflag:s15] =	ssyncadd.s32 $0xFFFFFFFF  }
0x96: {  	s16 =	sld [smem:$0x10];
	(tm) =	ssettm $0x1  }
0x97: {  	s17 =	sld [smem:$0x3FFB];
	_ =	sdelay $0x3  }
0x98: {  	_ =	strace s17  }
0x99: {  	s3 =	sld [smem:$0x3FFC];
	_ =	sdelay $0x3  }
0x9a: {  	_ =	strace s3  }
0x9b: {  	s3 =	sld [smem:$0x3FFD];
	_ =	sdelay $0x3  }
0x9c: {  	_ =	strace s3  }
0x9d: {  	_ =	strace $0x8FFFFFFF  }
0x9e: {  	s18 =	sld [smem:$0x3FDB];
	_ =	sdelay $0x1  }
0x9f: {  	s19 =	simm.s32 $_scs_section_size  }
0xa0: {  	s5 =	simm.s32 $_size__tile_overlayer_lowered;
	s6 =	simm.s32 $_tile_overlayer_lowered  }
0xa1: {  	s22 =	simm.s32 $0x1BFF;
	s21 =	sshll.u32 s6, $0x1;
	s3 =	sadd.s32 s19, s18  }
0xa2: {  	s7 =	simm.s32 $0x0;
	s20 =	sshll.u32 s5, $0x1;
	s5 =	sadd.s32 s21, s3  }
0xa3: {  	[timem:s7], [sflag:s22] =	dma.local [hbm:s5], s20  }
0xa4: {  	_ =	swait.ge [sflag:s22], s20  }
0xa5: {  	s4 =	ssub.s32 $0x0, s20;
	[sflag:s22] =	ssyncset.done $0x0  }
0xa6: {  	[sflag:s22] =	ssyncadd.s32 s4;
	_ =	sdelay $0x1  }
0xa7: {  	s23 =	simm.s32 $0x1B8B  }
0xa8: {  	_ =	swait.ge [sflag:s23], $0x1  }
0xa9: {  	[sflag:s23] =	ssyncset.done $0x0  }
0xaa: {  	s25 =	simm.s32 $0x1B8E;
	s24 =	sld [smem:$0x3FFE];
	[sflag:s23] =	ssyncadd.s32 $0xFFFFFFFF  }
0xab: {  	s26 =	simm.s32 $execute0_lowered;
	[smem:$0x3FD2] =	sst s25  }
0xac: {  	s5 =	sshll.u32 s26, $0x1;
	_ =	strace $0x80000046;
	[dreg:$0x1] =	wrdreg $0xFFFFFFFF  }
0xad: {  	s28 =	simm.s32 $_size_execute0_lowered;
	s3 =	sadd.s32 s3, s5;
	[dreg:$0x0] =	wrdreg $0x0  }
0xae: {  	s5 =	sshll.u32 s28, $0x1;
	[dreg:$0x2] =	wrdreg s3  }
0xaf: {  	[dreg:$0x3] =	wrdreg s5  }
0xb0: {  	[dreg:$0x4] =	wrdreg $0xC0  }
0xb1: {  	_ =	task [dreg:s7], $0x5FFFF  }
0xb2: {  	[dreg:$0x1] =	wrdreg $0xFFFFFFFF  }
0xb3: {  	[dreg:$0x0] =	wrdreg $0x60  }
0xb4: {  	[dreg:$0x2] =	wrdreg s16  }
0xb5: {  	[dreg:$0x3] =	wrdreg s24  }
0xb6: {  	[dreg:$0x4] =	wrdreg $0xA8000  }
0xb7: {  	[dreg:$0x5] =	wrdreg $0x9  }
0xb8: {  	_ =	task.clear_ibuf [dreg:s7], $0x6FFFF;
	_ =	strace $0x90000046  }
0xb9: {  	s29 =	simm.s32 $0x9;
	_ =	strace $0x80000048  }
0xba: {  	_ =	swait.ge [sflag:s29], $0x1  }
0xbb: {  	[sflag:s29] =	ssyncadd.s32 $0xFFFFFFFF  }
0xbc: {  	_ =	strace $0x90000048  }
0xbd: {  	_ =	sfence  }
0xbe: {  	s30 =	sld [smem:$0x0];
	_ =	sdelay $0x2  }
0xbf: {  	s31 =	sshll.u32 s1, $0xD;
	s1 =	sshrl.u32 s1, $0x2  }
0xc0: {  	s3 =	sand.u32 $0x4000, s31;
	s1 =	sadd.s32 s1, s30  }
0xc1: {  	s0 =	sor.u32 s3, s0;
	s1 =	sshll.u32 s1, $0x11  }
0xc2: {  	s0 =	sor.u32 s1, s0  }
0xc3: {  	s0 =	sadd.s32 $0x8F2B, s0  }
0xc4: {  	[sflag:s0] =	ssyncadd.remote.s32 $0x1  }
0xc5: {  	_ =	sfence.sel $0xFFFF  }
0xc6: {  	[dreg:$0x0] =	wrdreg $0xFFFFFFFF;
	(pc) =	sbr.abs _section_cstart, $3  }
0xc7: {  	[dreg:$0x1] =	wrdreg $0xFFFFFFFF  }
0xc8: {  	_ =	task.clear_ibuf [dreg:s7], $0x2FFFF;
	_ =	strace $0x9FFFFFFF  }
0xc9: {  	(tm) =	ssettm $0x7FFFFFFF  }
tec
execute0_lowered:
.L_overlay_start_1:
0x0: {  	(tag) =	ssettag $0x1  }
0x1: {  	s9 =	rddreg [dreg:$0x0]  }
0x2: {  	s4 =	rddreg [dreg:$0x1]  }
0x3: {  	s0 =	srdreg.scid;
	s2 =	rddreg [dreg:$0x2]  }
0x4: {  	s1 =	stileid.u32;
	s3 =	simm.s32 $0x0;
	s13 =	simm.s32 $0x2  }
0x5: {  	s14 =	simm.s32 $0x80;
	s15 =	simm.s32 $0x2800;
	s16 =	simm.s32 $0x100  }
0x6: {  	s17 =	simm.s32 $0x180;
	s18 =	simm.s32 $0x200;
	s19 =	simm.s32 $0x280  }
0x7: {  	s20 =	simm.s32 $0x300;
	s21 =	simm.s32 $0x380;
	s5 =	sand.u32 $0x1, s0  }
0x8: {  	s22 =	simm.s32 $0x1;
	s23 =	simm.s32 $0x0;
	s6 =	sshll.u32 s5, $0x4  }
0x9: {  	s7 =	smul.u32 $0x4E200, s1;
	s5 =	ssub.s32 $0x2, s5;
	s6 =	sor.u32 s1, s6  }
0xa: {  	s0 =	rddreg [dreg:$0x3];
	s31 =	sshrl.u32 s5, $0x1;
	s8 =	smul.u32 $0x2780, s6  }
0xb: {  	[smem:$0x7FF] =	sst s3;
	s11 =	ssub.s32 s5, s31;
	s12 =	smul.u32 $0x500, s6  }
0xc: {  	_ =	strace $0x80000047;
	s7 =	sshrl.u32 s7, $0x2;
	s11 =	smax.u32 s11, $0x1  }
0xd: {  	s10 =	sadd.s32 s8, s4;
	s4 =	sadd.s32 s7, s2;
	s9 =	sadd.s32 s9, s12  }
0xe: {  	s12 =	simm.s32 $0x6800;
	s5 =	sadd.s32 $0x3E80, s4;
	s6 =	sadd.s32 $0x7D00, s4  }
0xf: {  	v0 =	vimm.f32 $1.000000000e+00;
	v1 =	vimm.f32 $0.0e+00;
	s7 =	sadd.s32 $0xBB80, s4;
	s8 =	sadd.s32 $0xFA00, s4;
	s10 =	sadd.s32 $0x3000, s10  }
.LBB2_1:
0x10: {  	s24 =	simm.s32 $0x0;
	s25 =	simm.s32 $0x200  }
.LBB2_2:
0x11: {  	p0 =	sne.s32 s25, $0xFE00;
	[tilespmem:s24+$0x2870] =	vst v0  }
0x12: {  	[tilespmem:s24+$0x2800] =	vst v0  }
0x13: {  	[tilespmem:s24+$0x2810] =	vst v0  }
.Ltmp0:
0x14: {  	[tilespmem:s24+$0x2820] =	vst v0;
	(pc) =	sbr.rel @p0 .LBB2_2-.Ltmp0, $4  }
0x15: {  	[tilespmem:s24+$0x2830] =	vst v0  }
0x16: {  	[tilespmem:s24+$0x2840] =	vst v0  }
0x17: {  	[tilespmem:s24+$0x2850] =	vst v0  }
0x18: {  	[tilespmem:s24+$0x2860] =	vst v0;
	s24 =	sshra.s32 s25, $0x2;
	s25 =	sadd.s32 $0x200, s25  }
0x19: {  	[tilespmem:s24+$0x2870] =	vst v0  }
0x1a: {  	[tilespmem:s24+$0x2800] =	vst v0  }
0x1b: {  	[tilespmem:s24+$0x2810] =	vst v0  }
0x1c: {  	[tilespmem:s24+$0x2820] =	vst v0  }
0x1d: {  	[tilespmem:s24+$0x2830] =	vst v0  }
0x1e: {  	[tilespmem:s24+$0x2840] =	vst v0  }
0x1f: {  	[tilespmem:s24+$0x2850] =	vst v0  }
0x20: {  	[tilespmem:s24+$0x2860] =	vst v0;
	s24 =	simm.s32 $0x0;
	s25 =	simm.s32 $0x200  }
.LBB2_4:
0x21: {  	p0 =	sne.s32 s25, $0xF800;
	[tilespmem:s24+$0x6870] =	vst v1  }
0x22: {  	[tilespmem:s24+$0x6800] =	vst v1  }
0x23: {  	[tilespmem:s24+$0x6810] =	vst v1  }
.Ltmp1:
0x24: {  	[tilespmem:s24+$0x6820] =	vst v1;
	(pc) =	sbr.rel @p0 .LBB2_4-.Ltmp1, $4  }
0x25: {  	[tilespmem:s24+$0x6830] =	vst v1  }
0x26: {  	[tilespmem:s24+$0x6840] =	vst v1  }
0x27: {  	[tilespmem:s24+$0x6850] =	vst v1  }
0x28: {  	[tilespmem:s24+$0x6860] =	vst v1;
	s24 =	sshra.s32 s25, $0x2;
	s25 =	sadd.s32 $0x200, s25  }
0x29: {  	[tilespmem:s24+$0x6870] =	vst v1  }
0x2a: {  	[tilespmem:s24+$0x6800] =	vst v1  }
0x2b: {  	[tilespmem:s24+$0x6810] =	vst v1  }
0x2c: {  	[tilespmem:s24+$0x6820] =	vst v1  }
0x2d: {  	[tilespmem:s24+$0x6830] =	vst v1  }
0x2e: {  	[tilespmem:s24+$0x6840] =	vst v1  }
0x2f: {  	[tilespmem:s24+$0x6850] =	vst v1  }
0x30: {  	[tilespmem:s24+$0x6860] =	vst v1  }
0x31: {  	[spmem:s4] =	stream.linear.scatter [tilespmem:s12], [sflag:$0x2], $0x3E80, $0x38;
	[tilespmem:$0x1E100] =	vst v63  }
0x32: {  	_ =	swait.ge [sflag:s13], $0x3E80  }
0x33: {  	[sflag:s13] =	ssyncset.done $0x0  }
0x34: {  	[sflag:s13] =	ssyncadd.s32 $0xFFFFC180  }
0x35: {  	[spmem:s5] =	stream.linear.scatter [tilespmem:s12], [sflag:$0x2], $0x3E80, $0x38;
	[tilespmem:$0x1E100] =	vst v63  }
0x36: {  	_ =	swait.ge [sflag:s13], $0x3E80  }
0x37: {  	[sflag:s13] =	ssyncset.done $0x0  }
0x38: {  	[sflag:s13] =	ssyncadd.s32 $0xFFFFC180  }
0x39: {  	[spmem:s6] =	stream.linear.scatter [tilespmem:s12], [sflag:$0x2], $0x3E80, $0x38;
	[tilespmem:$0x1E100] =	vst v63  }
0x3a: {  	_ =	swait.ge [sflag:s13], $0x3E80  }
0x3b: {  	[sflag:s13] =	ssyncset.done $0x0  }
0x3c: {  	[sflag:s13] =	ssyncadd.s32 $0xFFFFC180  }
0x3d: {  	[spmem:s7] =	stream.linear.scatter [tilespmem:s12], [sflag:$0x2], $0x3E80, $0x38;
	[tilespmem:$0x1E100] =	vst v63  }
0x3e: {  	_ =	swait.ge [sflag:s13], $0x3E80  }
0x3f: {  	[sflag:s13] =	ssyncset.done $0x0  }
0x40: {  	[sflag:s13] =	ssyncadd.s32 $0xFFFFC180  }
0x41: {  	[spmem:s8] =	stream.linear.scatter [tilespmem:s12], [sflag:$0x2], $0x3E80, $0x38;
	[tilespmem:$0x1E100] =	vst v63  }
0x42: {  	_ =	swait.ge [sflag:s13], $0x3E80  }
0x43: {  	[sflag:s13] =	ssyncset.done $0x0  }
0x44: {  	[sflag:s13] =	ssyncadd.s32 $0xFFFFC180  }
0x45: {  	[tilespmem:s3], [sflag:$0x2] =	stream.linear.gather [hbm4b:s9+s3], $0x2800, $0x38;
	[tilespmem:$0x1E100] =	vst v63  }
0x46: {  	_ =	swait.ge [sflag:s13], $0x2800  }
0x47: {  	[sflag:s13] =	ssyncset.done $0x0  }
0x48: {  	[sflag:s13] =	ssyncadd.s32 $0xFFFFD800  }
0x49: {  	[bflag:$0x0] =	sbarrier.arrive $0xFFFF  }
0x4a: {  	[spmem:s2] =	stream.indirect.scatter.add.f32 [tilespmem:s15], [sflag:$0x1], $0x80, s3, s14, $0xb8;
	[tilespmem:$0x1E100] =	vst v63  }
0x4b: {  	_ = 	snop  }
0x4c: {  	[spmem:s2] =	stream.indirect.scatter.add.f32 [tilespmem:s15], [sflag:$0x1], $0x80, s14, s14, $0xb8;
	[tilespmem:$0x1E100] =	vst v63  }
0x4d: {  	_ = 	snop  }
0x4e: {  	[spmem:s2] =	stream.indirect.scatter.add.f32 [tilespmem:s15], [sflag:$0x1], $0x80, s16, s14, $0xb8;
	[tilespmem:$0x1E100] =	vst v63  }
0x4f: {  	_ = 	snop  }
0x50: {  	[spmem:s2] =	stream.indirect.scatter.add.f32 [tilespmem:s15], [sflag:$0x1], $0x80, s17, s14, $0xb8;
	[tilespmem:$0x1E100] =	vst v63  }
0x51: {  	_ = 	snop  }
0x52: {  	[spmem:s2] =	stream.indirect.scatter.add.f32 [tilespmem:s15], [sflag:$0x1], $0x80, s18, s14, $0xb8;
	[tilespmem:$0x1E100] =	vst v63  }
0x53: {  	_ = 	snop  }
0x54: {  	[spmem:s2] =	stream.indirect.scatter.add.f32 [tilespmem:s15], [sflag:$0x1], $0x80, s19, s14, $0xb8;
	[tilespmem:$0x1E100] =	vst v63  }
0x55: {  	_ = 	snop  }
0x56: {  	[spmem:s2] =	stream.indirect.scatter.add.f32 [tilespmem:s15], [sflag:$0x1], $0x80, s20, s14, $0xb8;
	[tilespmem:$0x1E100] =	vst v63  }
0x57: {  	_ = 	snop  }
0x58: {  	[spmem:s2] =	stream.indirect.scatter.add.f32 [tilespmem:s15], [sflag:$0x1], $0x80, s21, s14, $0xb8;
	[tilespmem:$0x1E100] =	vst v63  }
0x59: {  	_ =	swait.ge [sflag:s22], $0x4000  }
0x5a: {  	[sflag:s22] =	ssyncset.done $0x0  }
0x5b: {  	s24 =	simm.s32 $0x1200;
	s25 =	simm.s32 $0x400;
	[sflag:s22] =	ssyncadd.s32 $0xFFFFC000  }
.LBB2_6:
0x5c: {  	[spmem:s2] =	stream.indirect.scatter.add.f32 [tilespmem:s15], [sflag:$0x1], $0x80, s25, s14, $0xb8;
	[tilespmem:$0x1E100] =	vst v63  }
0x5d: {  	s25 =	smov.u32 s24;
	p0 =	sne.s32 s24, $0x9C00  }
.Ltmp2:
0x5e: {  	s24 =	sadd.s32 $0x200, s24;
	(pc) =	sbr.rel @p0 .LBB2_6-.Ltmp2, $4  }
0x5f: {  	_ = 	snop  }
0x60: {  	_ =	swait.ge [sflag:s22], $0x4000  }
0x61: {  	[sflag:s22] =	ssyncset.done $0x0  }
0x62: {  	s25 =	sshra.s32 s25, $0x2;
	[sflag:s22] =	ssyncadd.s32 $0xFFFFC000  }
0x63: {  	[spmem:s2] =	stream.indirect.scatter.add.f32 [tilespmem:s15], [sflag:$0x1], $0x80, s25, s14, $0xb8;
	[tilespmem:$0x1E100] =	vst v63  }
0x64: {  	_ =	swait.ge [sflag:s22], $0x4000  }
0x65: {  	[sflag:s22] =	ssyncset.done $0x0  }
0x66: {  	[sflag:s22] =	ssyncadd.s32 $0xFFFFC000  }
0x67: {  	_ =	swait.ge [sflag:s22], $0x4000  }
0x68: {  	[sflag:s22] =	ssyncset.done $0x0  }
0x69: {  	[sflag:s22] =	ssyncadd.s32 $0xFFFFC000  }
0x6a: {  	_ =	swait.ge [sflag:s22], $0x4000  }
0x6b: {  	[sflag:s22] =	ssyncset.done $0x0  }
0x6c: {  	[sflag:s22] =	ssyncadd.s32 $0xFFFFC000  }
0x6d: {  	_ =	swait.ge [sflag:s22], $0x4000  }
0x6e: {  	[sflag:s22] =	ssyncset.done $0x0  }
0x6f: {  	[sflag:s22] =	ssyncadd.s32 $0xFFFFC000  }
0x70: {  	_ =	swait.ge [sflag:s22], $0x4000  }
0x71: {  	[sflag:s22] =	ssyncset.done $0x0  }
0x72: {  	[sflag:s22] =	ssyncadd.s32 $0xFFFFC000  }
0x73: {  	_ =	swait.ge [sflag:s22], $0x4000  }
0x74: {  	[sflag:s22] =	ssyncset.done $0x0  }
0x75: {  	[sflag:s22] =	ssyncadd.s32 $0xFFFFC000  }
0x76: {  	_ =	swait.ge [sflag:s22], $0x4000  }
0x77: {  	[sflag:s22] =	ssyncset.done $0x0  }
0x78: {  	[sflag:s22] =	ssyncadd.s32 $0xFFFFC000  }
0x79: {  	_ =	swait.ge [sflag:s22], $0x4000  }
0x7a: {  	s24 =	sshll.u32 s1, $0x6;
	s23 =	sadd.s32 $0x1, s23;
	[sflag:s22] =	ssyncset.done $0x0  }
0x7b: {  	s31 =	sshrl.u32 s4, $0x3;
	p0 =	sne.s32 s23, s11;
	[sflag:s22] =	ssyncadd.s32 $0xFFFFC000  }
.Ltmp3:
0x7c: {  	s24 =	sor.u32 $0x1C02, s24;
	[bflag:$0x0] =	sbarrier.arrive $0xFFFF;
	(pc) =	sbr.rel @p0 .LBB2_1-.Ltmp3, $4  }
0x7d: {  	[hbm:s10], [sflag:s24] =	dma.local [spmem:s31], $0x2710  }
0x7e: {  	_ =	swait.ge [sflag:s13], $0x2710  }
0x7f: {  	[sflag:s13] =	ssyncset.done $0x0  }
0x80: {  	[sflag:s13] =	ssyncadd.s32 $0xFFFFD8F0  }
0x81: {  	_ =	sfence.sel $0x180000  }
0x82: {  	[bflag:$0x0] =	sbarrier.arrive $0xFFFF  }
0x83: {  	p0 =	sne.s32 s1, $0x0;
	_ =	strace $0x90000047  }
0x84: {  	s0 =	sadd.s32 @!p0 $0x100000, s0;
	[bflag:$0x2] =	sbarrier.arrive $0xFFFF  }
0x85: {  	[sflag:s0] =	ssyncadd.tile.s32 @!p0 $0x1;
	_ =	shalt  }
.Lfunc_end2:
_tile_overlayer_lowered:
.L_overlay_start_2:
0x86: {  	(tag) =	ssettag $0x2  }
0x87: {  	s0 =	rddreg [dreg:$0x0];
	s2 =	stileid.u32  }
0x88: {  	s1 =	rddreg [dreg:$0x1];
	p0 =	sne.s32 s2, $0x0  }
0x89: {  	s3 =	rddreg [dreg:$0x2];
	[bflag:$0x3] =	sbarrier.arrive $0xFFFF;
	s2 =	simm.s32 @!p0 $0x1C02  }
0x8a: {  	[timem:s3], [sflag:s2] =	dma.local @!p0 [hbm:s0], s1  }
0x8b: {  	s0 =	simm.s32 @!p0 $0x2  }
0x8c: {  	_ =	swait.ge @!p0 [sflag:s0], s1  }
0x8d: {  	s1 =	ssub.s32 @!p0 $0x0, s1;
	[sflag:s0] =	ssyncset.done @!p0 $0x0  }
0x8e: {  	[sflag:s0] =	ssyncadd.s32 @!p0 s1  }
0x8f: {  	[bflag:$0x3] =	sbarrier.arrive $0xFFFF  }
0x90: {  	_ =	shalt  }

</sc_bundles>
